<compile_context>
chip_gen: v7x
topology: tpu7x:2x2x1
jax: 0.10.2.dev20260603
libtpu: 0.0.44.dev20260713+nightly
codegen_flags: <defaults>
</compile_context>

<pallas_src>
import functools

import jax
import jax.numpy as jnp
from jax import lax
from jax.experimental import pallas as pl
from jax.experimental.pallas import tpu as pltpu
from jax.experimental.pallas import tpu_sc as plsc

_L = 16


@functools.lru_cache(maxsize=None)
def _build(B, V, D):
    info = plsc.get_sparse_core_info()
    NC, NS = info.num_cores, info.num_subcores
    NW = NC * NS
    assert B % NW == 0 and D % _L == 0
    b_per_w = B // NW
    mesh = plsc.VectorSubcoreMesh(core_axis_name="c", subcore_axis_name="s")

    nchunk = 4
    rpc = b_per_w // nchunk

    @functools.partial(
        pl.kernel,
        mesh=mesh,
        out_type=jax.ShapeDtypeStruct((B, D), jnp.float32),
        compiler_params=pltpu.CompilerParams(needs_layout_passes=False),
        scratch_types=[
            pltpu.VMEM((b_per_w,), jnp.int32),
            pltpu.VMEM((b_per_w, D), jnp.float32),
            pltpu.VMEM((b_per_w,), jnp.float32),
            pltpu.SemaphoreType.DMA,
            pltpu.SemaphoreType.DMA,
        ] + [pltpu.SemaphoreType.DMA] * nchunk,
    )
    def gather_scale(idx_hbm, table_hbm, w_hbm, out_hbm, idx_v, rows_v, w_v,
                     sem_w, sem_out, *sem_c):
        wid = lax.axis_index("s") * NC + lax.axis_index("c")
        base = wid * b_per_w
        pltpu.sync_copy(idx_hbm.at[pl.ds(base, b_per_w)], idx_v)
        cp_w = pltpu.async_copy(w_hbm.at[idx_v], w_v, sem_w)
        cp_rows = [
            pltpu.async_copy(
                table_hbm.at[idx_v.at[pl.ds(c * rpc, rpc)]],
                rows_v.at[pl.ds(c * rpc, rpc)],
                sem_c[c],
            )
            for c in range(nchunk)
        ]
        cp_w.wait()
        cp_out = []
        for c in range(nchunk):
            cp_rows[c].wait()

            @plsc.parallel_loop(c * rpc, (c + 1) * rpc, unroll=1)
            def _scale_row(i):
                wb = plsc.load_gather(w_v, [jnp.full((_L,), i, jnp.int32)])
                for j in range(D // _L):
                    sl = pl.ds(j * _L, _L)
                    rows_v[i, sl] = rows_v[i, sl] * wb

            cp_out.append(
                pltpu.async_copy(
                    rows_v.at[pl.ds(c * rpc, rpc)],
                    out_hbm.at[pl.ds(base + c * rpc, rpc)],
                    sem_out,
                )
            )
        for cp in cp_out:
            cp.wait()

    return gather_scale


def kernel(indices, ent_embeddings, linear_w):
    B, = indices.shape
    V, D = ent_embeddings.shape
    return _build(B, V, D)(indices, ent_embeddings,
                           jnp.squeeze(linear_w, axis=1))

# --- scband reference (transcript-rebuilt; emitter-appended) ---
"""Pipeline reference for scband-base-model-15753940042089 (READ-ONLY COPY).

The authoritative reference and input builder live on the scoring server;
editing this copy changes nothing except your own understanding.
"""

import jax, jax.numpy as jnp
import numpy as np

NUM_ENT = 100000
EMB_DIM = 128
BATCH = 4096

def setup_inputs(seed: int = 0) -> dict:
    key = jax.random.key(seed)
    k_idx, k_ent, k_w = jax.random.split(key, 3)
    indices = jax.random.randint(k_idx, (BATCH,), 0, NUM_ENT, dtype=jnp.int64 if jax.config.jax_enable_x64 else jnp.int32).astype(jnp.int32)
    # learned parameters per Plan_weight branch (snapshot 0):
    # ent_embeddings [num_ent, emb_dim] and per-entity scalar weight linear_w [num_ent, 1]
    ent_embeddings = jax.random.normal(k_ent, (NUM_ENT, EMB_DIM), dtype=jnp.float32) * (2.0 / (NUM_ENT + EMB_DIM)) ** 0.5
    linear_w = jax.random.normal(k_w, (NUM_ENT, 1), dtype=jnp.float32) * (2.0 / (NUM_ENT + 1)) ** 0.5
    return {"indices": indices, "ent_embeddings": ent_embeddings, "linear_w": linear_w}

def reference(indices, ent_embeddings, linear_w):
    # BaseModel.embedding() with Plan_weight == 'True' and snapshot == 0:
    #   ent_embeddings_out = ent_embeddings_list[0] * linear_w_list[0]
    ent_embeddings_out = ent_embeddings * linear_w
    # embedding lookup over the combined table for a batch of entity ids
    gathered = jnp.take(ent_embeddings_out, indices, axis=0)
    return gathered

if __name__ == "__main__":
    import jax
    _d = setup_inputs()
    print(jax.jit(kernel)(*tuple(_d.values())))

</pallas_src>

<mosaic_0001>
#map = affine_map<(d0, d1) -> (0)>
#map1 = affine_map<(d0, d1) -> (0, 0)>
module attributes {stable_mosaic.version = 14 : i64} {
  func.func @gather_scale(%arg0: i32, %arg1: i32, %arg2: memref<4096xi32, #tpu.memory_space<hbm>>, %arg3: memref<100000x128xf32, #tpu.memory_space<hbm>>, %arg4: memref<100000xf32, #tpu.memory_space<hbm>>, %arg5: memref<4096x128xf32, #tpu.memory_space<hbm>>, %arg6: memref<128xi32, #tpu.memory_space<vmem>>, %arg7: memref<128x128xf32, #tpu.memory_space<vmem>>, %arg8: memref<128xf32, #tpu.memory_space<vmem>>, %arg9: memref<!tpu.dma_semaphore, #tpu.memory_space<semaphore_mem>>, %arg10: memref<!tpu.dma_semaphore, #tpu.memory_space<semaphore_mem>>, %arg11: memref<!tpu.dma_semaphore, #tpu.memory_space<semaphore_mem>>, %arg12: memref<!tpu.dma_semaphore, #tpu.memory_space<semaphore_mem>>, %arg13: memref<!tpu.dma_semaphore, #tpu.memory_space<semaphore_mem>>, %arg14: memref<!tpu.dma_semaphore, #tpu.memory_space<semaphore_mem>>) attributes {dimension_semantics = [#tpu.dimension_semantics<core_parallel>, #tpu.dimension_semantics<subcore_parallel>], iteration_bounds = array<i64: 2, 16>, scalar_prefetch = 0 : i64, scratch_operands = 9 : i64, tpu.core_type = #tpu.core_type<sc_vector_subcore>, window_params = [{transform_indices = #map}, {transform_indices = #map1}, {transform_indices = #map}, {transform_indices = #map1}]} {
    %mul3A = arith.constant 2 : i32
    %mul3A_0 = arith.muli %arg1, %mul3A : i32
    %add3A = arith.addi %mul3A_0, %arg0 : i32
    %mul3A_1 = arith.constant 128 : i32
    %mul3A_2 = arith.muli %add3A, %mul3A_1 : i32
    "tpu.region"() ({
      %run_scoped3A = tpu.sem_alloc : memref<!tpu.dma_semaphore, #tpu.memory_space<semaphore_mem>>
      %dma_start3A_168 = tpu.memref_slice %arg2[%mul3A_2] : memref<4096xi32, #tpu.memory_space<hbm>> -> memref<128xi32, #tpu.memory_space<hbm>>
      %dma_start3A_169 = tpu.memref_slice %arg2[%mul3A_2] : memref<4096xi32, #tpu.memory_space<hbm>> -> memref<128xi32, #tpu.memory_space<hbm>>
      tpu.enqueue_dma source(%dma_start3A_169 : memref<128xi32, #tpu.memory_space<hbm>>) target(%arg6 : memref<128xi32, #tpu.memory_space<vmem>>) target_semaphore(%run_scoped3A : memref<!tpu.dma_semaphore, #tpu.memory_space<semaphore_mem>>)
      %dma_wait3A_170 = tpu.memref_slice %arg2[%mul3A_2] : memref<4096xi32, #tpu.memory_space<hbm>> -> memref<128xi32, #tpu.memory_space<hbm>>
      %dma_wait3A_171 = tpu.memref_slice %arg2[%mul3A_2] : memref<4096xi32, #tpu.memory_space<hbm>> -> memref<128xi32, #tpu.memory_space<hbm>>
      tpu.wait_dma2 semaphore(%run_scoped3A : memref<!tpu.dma_semaphore, #tpu.memory_space<semaphore_mem>>) src(%dma_wait3A_171 : memref<128xi32, #tpu.memory_space<hbm>>) dst(%arg6 : memref<128xi32, #tpu.memory_space<vmem>>)
      tpu.yield
    }) : () -> ()
    %dma_start3A = arith.constant 0 : i32
    %dma_start3A_3 = tpu.memref_slice %arg4[%dma_start3A] : memref<100000xf32, #tpu.memory_space<hbm>> -> memref<100000xf32, #tpu.memory_space<hbm>>
    tpu.enqueue_indirect_dma source(%dma_start3A_3 : memref<100000xf32, #tpu.memory_space<hbm>>) target(%arg8 : memref<128xf32, #tpu.memory_space<vmem>>) offsets(%arg6 : memref<128xi32, #tpu.memory_space<vmem>>) semaphore(%arg9 : memref<!tpu.dma_semaphore, #tpu.memory_space<semaphore_mem>>)
    %dma_start3A_4 = arith.constant 0 : i32
    %dma_start3A_5 = arith.constant 0 : i32
    %dma_start3A_6 = tpu.memref_slice %arg7[%dma_start3A_4, %dma_start3A_5] : memref<128x128xf32, #tpu.memory_space<vmem>> -> memref<32x128xf32, #tpu.memory_space<vmem>>
    %dma_start3A_7 = arith.constant 0 : i32
    %dma_start3A_8 = tpu.memref_slice %arg6[%dma_start3A_7] : memref<128xi32, #tpu.memory_space<vmem>> -> memref<32xi32, #tpu.memory_space<vmem>>
    %dma_start3A_9 = arith.constant 0 : i32
    %dma_start3A_10 = arith.constant 0 : i32
    %dma_start3A_11 = tpu.memref_slice %arg3[%dma_start3A_9, %dma_start3A_10] : memref<100000x128xf32, #tpu.memory_space<hbm>> -> memref<100000x128xf32, #tpu.memory_space<hbm>>
    tpu.enqueue_indirect_dma source(%dma_start3A_11 : memref<100000x128xf32, #tpu.memory_space<hbm>>) target(%dma_start3A_6 : memref<32x128xf32, #tpu.memory_space<vmem>>) offsets(%dma_start3A_8 : memref<32xi32, #tpu.memory_space<vmem>>) semaphore(%arg11 : memref<!tpu.dma_semaphore, #tpu.memory_space<semaphore_mem>>)
    %dma_start3A_12 = arith.constant 32 : i32
    %dma_start3A_13 = arith.constant 0 : i32
    %dma_start3A_14 = tpu.memref_slice %arg7[%dma_start3A_12, %dma_start3A_13] : memref<128x128xf32, #tpu.memory_space<vmem>> -> memref<32x128xf32, #tpu.memory_space<vmem>>
    %dma_start3A_15 = arith.constant 32 : i32
    %dma_start3A_16 = tpu.memref_slice %arg6[%dma_start3A_15] : memref<128xi32, #tpu.memory_space<vmem>> -> memref<32xi32, #tpu.memory_space<vmem>>
    %dma_start3A_17 = arith.constant 0 : i32
    %dma_start3A_18 = arith.constant 0 : i32
    %dma_start3A_19 = tpu.memref_slice %arg3[%dma_start3A_17, %dma_start3A_18] : memref<100000x128xf32, #tpu.memory_space<hbm>> -> memref<100000x128xf32, #tpu.memory_space<hbm>>
    tpu.enqueue_indirect_dma source(%dma_start3A_19 : memref<100000x128xf32, #tpu.memory_space<hbm>>) target(%dma_start3A_14 : memref<32x128xf32, #tpu.memory_space<vmem>>) offsets(%dma_start3A_16 : memref<32xi32, #tpu.memory_space<vmem>>) semaphore(%arg12 : memref<!tpu.dma_semaphore, #tpu.memory_space<semaphore_mem>>)
    %dma_start3A_20 = arith.constant 64 : i32
    %dma_start3A_21 = arith.constant 0 : i32
    %dma_start3A_22 = tpu.memref_slice %arg7[%dma_start3A_20, %dma_start3A_21] : memref<128x128xf32, #tpu.memory_space<vmem>> -> memref<32x128xf32, #tpu.memory_space<vmem>>
    %dma_start3A_23 = arith.constant 64 : i32
    %dma_start3A_24 = tpu.memref_slice %arg6[%dma_start3A_23] : memref<128xi32, #tpu.memory_space<vmem>> -> memref<32xi32, #tpu.memory_space<vmem>>
    %dma_start3A_25 = arith.constant 0 : i32
    %dma_start3A_26 = arith.constant 0 : i32
    %dma_start3A_27 = tpu.memref_slice %arg3[%dma_start3A_25, %dma_start3A_26] : memref<100000x128xf32, #tpu.memory_space<hbm>> -> memref<100000x128xf32, #tpu.memory_space<hbm>>
    tpu.enqueue_indirect_dma source(%dma_start3A_27 : memref<100000x128xf32, #tpu.memory_space<hbm>>) target(%dma_start3A_22 : memref<32x128xf32, #tpu.memory_space<vmem>>) offsets(%dma_start3A_24 : memref<32xi32, #tpu.memory_space<vmem>>) semaphore(%arg13 : memref<!tpu.dma_semaphore, #tpu.memory_space<semaphore_mem>>)
    %dma_start3A_28 = arith.constant 96 : i32
    %dma_start3A_29 = arith.constant 0 : i32
    %dma_start3A_30 = tpu.memref_slice %arg7[%dma_start3A_28, %dma_start3A_29] : memref<128x128xf32, #tpu.memory_space<vmem>> -> memref<32x128xf32, #tpu.memory_space<vmem>>
    %dma_start3A_31 = arith.constant 96 : i32
    %dma_start3A_32 = tpu.memref_slice %arg6[%dma_start3A_31] : memref<128xi32, #tpu.memory_space<vmem>> -> memref<32xi32, #tpu.memory_space<vmem>>
    %dma_start3A_33 = arith.constant 0 : i32
    %dma_start3A_34 = arith.constant 0 : i32
    %dma_start3A_35 = tpu.memref_slice %arg3[%dma_start3A_33, %dma_start3A_34] : memref<100000x128xf32, #tpu.memory_space<hbm>> -> memref<100000x128xf32, #tpu.memory_space<hbm>>
    tpu.enqueue_indirect_dma source(%dma_start3A_35 : memref<100000x128xf32, #tpu.memory_space<hbm>>) target(%dma_start3A_30 : memref<32x128xf32, #tpu.memory_space<vmem>>) offsets(%dma_start3A_32 : memref<32xi32, #tpu.memory_space<vmem>>) semaphore(%arg14 : memref<!tpu.dma_semaphore, #tpu.memory_space<semaphore_mem>>)
    %dma_wait3A = arith.constant 0 : i32
    %dma_wait3A_36 = tpu.memref_slice %arg4[%dma_wait3A] : memref<100000xf32, #tpu.memory_space<hbm>> -> memref<100000xf32, #tpu.memory_space<hbm>>
    tpu.wait_indirect_dma semaphore(%arg9 : memref<!tpu.dma_semaphore, #tpu.memory_space<semaphore_mem>>) src(%dma_wait3A_36 : memref<100000xf32, #tpu.memory_space<hbm>>) dst(%arg8 : memref<128xf32, #tpu.memory_space<vmem>>)
    %dma_wait3A_37 = arith.constant 0 : i32
    %dma_wait3A_38 = arith.constant 0 : i32
    %dma_wait3A_39 = tpu.memref_slice %arg7[%dma_wait3A_37, %dma_wait3A_38] : memref<128x128xf32, #tpu.memory_space<vmem>> -> memref<32x128xf32, #tpu.memory_space<vmem>>
    %dma_wait3A_40 = arith.constant 0 : i32
    %dma_wait3A_41 = tpu.memref_slice %arg6[%dma_wait3A_40] : memref<128xi32, #tpu.memory_space<vmem>> -> memref<32xi32, #tpu.memory_space<vmem>>
    %dma_wait3A_42 = arith.constant 0 : i32
    %dma_wait3A_43 = arith.constant 0 : i32
    %dma_wait3A_44 = tpu.memref_slice %arg3[%dma_wait3A_42, %dma_wait3A_43] : memref<100000x128xf32, #tpu.memory_space<hbm>> -> memref<100000x128xf32, #tpu.memory_space<hbm>>
    tpu.wait_indirect_dma semaphore(%arg11 : memref<!tpu.dma_semaphore, #tpu.memory_space<semaphore_mem>>) src(%dma_wait3A_44 : memref<100000x128xf32, #tpu.memory_space<hbm>>) dst(%dma_wait3A_39 : memref<32x128xf32, #tpu.memory_space<vmem>>)
    %parallel_loop3A = arith.constant 0 : i32
    %parallel_loop3A_45 = arith.constant 32 : i32
    %parallel_loop3A_46 = arith.constant 1 : i32
    scf.for %parallel_loop3A_168 = %parallel_loop3A to %parallel_loop3A_45 step %parallel_loop3A_46  : i32 {
      %parallel_loop3A_169 = vector.broadcast %parallel_loop3A_168 : i32 to vector<16xi32>
      %parallel_loop3A_170 = tpu.vector_load_idx %arg8[%parallel_loop3A_169] : memref<128xf32, #tpu.memory_space<vmem>>[vector<16xi32>], vector<16xf32>,
      %parallel_loop3A_171 = arith.index_cast %parallel_loop3A_168 : i32 to index
      %parallel_loop3A_172 = arith.constant 0 : index
      %parallel_loop3A_173 = tpu.vector_load %arg7[%parallel_loop3A_171, %parallel_loop3A_172] {strides = array<i32>} : memref<128x128xf32, #tpu.memory_space<vmem>>, vector<16xf32>,
      %parallel_loop3A_174 = arith.mulf %parallel_loop3A_173, %parallel_loop3A_170 : vector<16xf32>
      %parallel_loop3A_175 = arith.index_cast %parallel_loop3A_168 : i32 to index
      %parallel_loop3A_176 = arith.constant 0 : index
      %parallel_loop3A_177 = tpu.vector_load %arg7[%parallel_loop3A_175, %parallel_loop3A_176] {strides = array<i32>} : memref<128x128xf32, #tpu.memory_space<vmem>>, vector<16xf32>,
      tpu.vector_store %arg7[%parallel_loop3A_175, %parallel_loop3A_176], %parallel_loop3A_174 {strides = array<i32>} : memref<128x128xf32, #tpu.memory_space<vmem>>, vector<16xf32>,
      %parallel_loop3A_178 = arith.index_cast %parallel_loop3A_168 : i32 to index
      %parallel_loop3A_179 = arith.constant 16 : index
      %parallel_loop3A_180 = tpu.vector_load %arg7[%parallel_loop3A_178, %parallel_loop3A_179] {strides = array<i32>} : memref<128x128xf32, #tpu.memory_space<vmem>>, vector<16xf32>,
      %parallel_loop3A_181 = arith.mulf %parallel_loop3A_180, %parallel_loop3A_170 : vector<16xf32>
      %parallel_loop3A_182 = arith.index_cast %parallel_loop3A_168 : i32 to index
      %parallel_loop3A_183 = arith.constant 16 : index
      %parallel_loop3A_184 = tpu.vector_load %arg7[%parallel_loop3A_182, %parallel_loop3A_183] {strides = array<i32>} : memref<128x128xf32, #tpu.memory_space<vmem>>, vector<16xf32>,
      tpu.vector_store %arg7[%parallel_loop3A_182, %parallel_loop3A_183], %parallel_loop3A_181 {strides = array<i32>} : memref<128x128xf32, #tpu.memory_space<vmem>>, vector<16xf32>,
      %parallel_loop3A_185 = arith.index_cast %parallel_loop3A_168 : i32 to index
      %parallel_loop3A_186 = arith.constant 32 : index
      %parallel_loop3A_187 = tpu.vector_load %arg7[%parallel_loop3A_185, %parallel_loop3A_186] {strides = array<i32>} : memref<128x128xf32, #tpu.memory_space<vmem>>, vector<16xf32>,
      %parallel_loop3A_188 = arith.mulf %parallel_loop3A_187, %parallel_loop3A_170 : vector<16xf32>
      %parallel_loop3A_189 = arith.index_cast %parallel_loop3A_168 : i32 to index
      %parallel_loop3A_190 = arith.constant 32 : index
      %parallel_loop3A_191 = tpu.vector_load %arg7[%parallel_loop3A_189, %parallel_loop3A_190] {strides = array<i32>} : memref<128x128xf32, #tpu.memory_space<vmem>>, vector<16xf32>,
      tpu.vector_store %arg7[%parallel_loop3A_189, %parallel_loop3A_190], %parallel_loop3A_188 {strides = array<i32>} : memref<128x128xf32, #tpu.memory_space<vmem>>, vector<16xf32>,
      %parallel_loop3A_192 = arith.index_cast %parallel_loop3A_168 : i32 to index
      %parallel_loop3A_193 = arith.constant 48 : index
      %parallel_loop3A_194 = tpu.vector_load %arg7[%parallel_loop3A_192, %parallel_loop3A_193] {strides = array<i32>} : memref<128x128xf32, #tpu.memory_space<vmem>>, vector<16xf32>,
      %parallel_loop3A_195 = arith.mulf %parallel_loop3A_194, %parallel_loop3A_170 : vector<16xf32>
      %parallel_loop3A_196 = arith.index_cast %parallel_loop3A_168 : i32 to index
      %parallel_loop3A_197 = arith.constant 48 : index
      %parallel_loop3A_198 = tpu.vector_load %arg7[%parallel_loop3A_196, %parallel_loop3A_197] {strides = array<i32>} : memref<128x128xf32, #tpu.memory_space<vmem>>, vector<16xf32>,
      tpu.vector_store %arg7[%parallel_loop3A_196, %parallel_loop3A_197], %parallel_loop3A_195 {strides = array<i32>} : memref<128x128xf32, #tpu.memory_space<vmem>>, vector<16xf32>,
      %parallel_loop3A_199 = arith.index_cast %parallel_loop3A_168 : i32 to index
      %parallel_loop3A_200 = arith.constant 64 : index
      %parallel_loop3A_201 = tpu.vector_load %arg7[%parallel_loop3A_199, %parallel_loop3A_200] {strides = array<i32>} : memref<128x128xf32, #tpu.memory_space<vmem>>, vector<16xf32>,
      %parallel_loop3A_202 = arith.mulf %parallel_loop3A_201, %parallel_loop3A_170 : vector<16xf32>
      %parallel_loop3A_203 = arith.index_cast %parallel_loop3A_168 : i32 to index
      %parallel_loop3A_204 = arith.constant 64 : index
      %parallel_loop3A_205 = tpu.vector_load %arg7[%parallel_loop3A_203, %parallel_loop3A_204] {strides = array<i32>} : memref<128x128xf32, #tpu.memory_space<vmem>>, vector<16xf32>,
      tpu.vector_store %arg7[%parallel_loop3A_203, %parallel_loop3A_204], %parallel_loop3A_202 {strides = array<i32>} : memref<128x128xf32, #tpu.memory_space<vmem>>, vector<16xf32>,
      %parallel_loop3A_206 = arith.index_cast %parallel_loop3A_168 : i32 to index
      %parallel_loop3A_207 = arith.constant 80 : index
      %parallel_loop3A_208 = tpu.vector_load %arg7[%parallel_loop3A_206, %parallel_loop3A_207] {strides = array<i32>} : memref<128x128xf32, #tpu.memory_space<vmem>>, vector<16xf32>,
      %parallel_loop3A_209 = arith.mulf %parallel_loop3A_208, %parallel_loop3A_170 : vector<16xf32>
      %parallel_loop3A_210 = arith.index_cast %parallel_loop3A_168 : i32 to index
      %parallel_loop3A_211 = arith.constant 80 : index
      %parallel_loop3A_212 = tpu.vector_load %arg7[%parallel_loop3A_210, %parallel_loop3A_211] {strides = array<i32>} : memref<128x128xf32, #tpu.memory_space<vmem>>, vector<16xf32>,
      tpu.vector_store %arg7[%parallel_loop3A_210, %parallel_loop3A_211], %parallel_loop3A_209 {strides = array<i32>} : memref<128x128xf32, #tpu.memory_space<vmem>>, vector<16xf32>,
      %parallel_loop3A_213 = arith.index_cast %parallel_loop3A_168 : i32 to index
      %parallel_loop3A_214 = arith.constant 96 : index
      %parallel_loop3A_215 = tpu.vector_load %arg7[%parallel_loop3A_213, %parallel_loop3A_214] {strides = array<i32>} : memref<128x128xf32, #tpu.memory_space<vmem>>, vector<16xf32>,
      %parallel_loop3A_216 = arith.mulf %parallel_loop3A_215, %parallel_loop3A_170 : vector<16xf32>
      %parallel_loop3A_217 = arith.index_cast %parallel_loop3A_168 : i32 to index
      %parallel_loop3A_218 = arith.constant 96 : index
      %parallel_loop3A_219 = tpu.vector_load %arg7[%parallel_loop3A_217, %parallel_loop3A_218] {strides = array<i32>} : memref<128x128xf32, #tpu.memory_space<vmem>>, vector<16xf32>,
      tpu.vector_store %arg7[%parallel_loop3A_217, %parallel_loop3A_218], %parallel_loop3A_216 {strides = array<i32>} : memref<128x128xf32, #tpu.memory_space<vmem>>, vector<16xf32>,
      %parallel_loop3A_220 = arith.index_cast %parallel_loop3A_168 : i32 to index
      %parallel_loop3A_221 = arith.constant 112 : index
      %parallel_loop3A_222 = tpu.vector_load %arg7[%parallel_loop3A_220, %parallel_loop3A_221] {strides = array<i32>} : memref<128x128xf32, #tpu.memory_space<vmem>>, vector<16xf32>,
      %parallel_loop3A_223 = arith.mulf %parallel_loop3A_222, %parallel_loop3A_170 : vector<16xf32>
      %parallel_loop3A_224 = arith.index_cast %parallel_loop3A_168 : i32 to index
      %parallel_loop3A_225 = arith.constant 112 : index
      %parallel_loop3A_226 = tpu.vector_load %arg7[%parallel_loop3A_224, %parallel_loop3A_225] {strides = array<i32>} : memref<128x128xf32, #tpu.memory_space<vmem>>, vector<16xf32>,
      tpu.vector_store %arg7[%parallel_loop3A_224, %parallel_loop3A_225], %parallel_loop3A_223 {strides = array<i32>} : memref<128x128xf32, #tpu.memory_space<vmem>>, vector<16xf32>,
    } {sc.loop_unroll_factor = 1 : i64, sc.parallel_access}
    %add3A_47 = arith.constant 0 : i32
    %add3A_48 = arith.addi %mul3A_2, %add3A_47 : i32
    %dma_start3A_49 = arith.constant 0 : i32
    %dma_start3A_50 = arith.constant 0 : i32
    %dma_start3A_51 = tpu.memref_slice %arg7[%dma_start3A_49, %dma_start3A_50] : memref<128x128xf32, #tpu.memory_space<vmem>> -> memref<32x128xf32, #tpu.memory_space<vmem>>
    %dma_start3A_52 = arith.constant 0 : i32
    %dma_start3A_53 = tpu.memref_slice %arg5[%add3A_48, %dma_start3A_52] : memref<4096x128xf32, #tpu.memory_space<hbm>> -> memref<32x128xf32, #tpu.memory_space<hbm>>
    %dma_start3A_54 = arith.constant 0 : i32
    %dma_start3A_55 = tpu.memref_slice %arg5[%add3A_48, %dma_start3A_54] : memref<4096x128xf32, #tpu.memory_space<hbm>> -> memref<32x128xf32, #tpu.memory_space<hbm>>
    %dma_start3A_56 = arith.constant 0 : i32
    %dma_start3A_57 = arith.constant 0 : i32
    %dma_start3A_58 = tpu.memref_slice %arg7[%dma_start3A_56, %dma_start3A_57] : memref<128x128xf32, #tpu.memory_space<vmem>> -> memref<32x128xf32, #tpu.memory_space<vmem>>
    tpu.enqueue_dma source(%dma_start3A_58 : memref<32x128xf32, #tpu.memory_space<vmem>>) target(%dma_start3A_55 : memref<32x128xf32, #tpu.memory_space<hbm>>) target_semaphore(%arg10 : memref<!tpu.dma_semaphore, #tpu.memory_space<semaphore_mem>>)
    %dma_wait3A_59 = arith.constant 32 : i32
    %dma_wait3A_60 = arith.constant 0 : i32
    %dma_wait3A_61 = tpu.memref_slice %arg7[%dma_wait3A_59, %dma_wait3A_60] : memref<128x128xf32, #tpu.memory_space<vmem>> -> memref<32x128xf32, #tpu.memory_space<vmem>>
    %dma_wait3A_62 = arith.constant 32 : i32
    %dma_wait3A_63 = tpu.memref_slice %arg6[%dma_wait3A_62] : memref<128xi32, #tpu.memory_space<vmem>> -> memref<32xi32, #tpu.memory_space<vmem>>
    %dma_wait3A_64 = arith.constant 0 : i32
    %dma_wait3A_65 = arith.constant 0 : i32
    %dma_wait3A_66 = tpu.memref_slice %arg3[%dma_wait3A_64, %dma_wait3A_65] : memref<100000x128xf32, #tpu.memory_space<hbm>> -> memref<100000x128xf32, #tpu.memory_space<hbm>>
    tpu.wait_indirect_dma semaphore(%arg12 : memref<!tpu.dma_semaphore, #tpu.memory_space<semaphore_mem>>) src(%dma_wait3A_66 : memref<100000x128xf32, #tpu.memory_space<hbm>>) dst(%dma_wait3A_61 : memref<32x128xf32, #tpu.memory_space<vmem>>)
    %parallel_loop3A_67 = arith.constant 32 : i32
    %parallel_loop3A_68 = arith.constant 64 : i32
    %parallel_loop3A_69 = arith.constant 1 : i32
    scf.for %parallel_loop3A_168 = %parallel_loop3A_67 to %parallel_loop3A_68 step %parallel_loop3A_69  : i32 {
      %parallel_loop3A_169 = vector.broadcast %parallel_loop3A_168 : i32 to vector<16xi32>
      %parallel_loop3A_170 = tpu.vector_load_idx %arg8[%parallel_loop3A_169] : memref<128xf32, #tpu.memory_space<vmem>>[vector<16xi32>], vector<16xf32>,
      %parallel_loop3A_171 = arith.index_cast %parallel_loop3A_168 : i32 to index
      %parallel_loop3A_172 = arith.constant 0 : index
      %parallel_loop3A_173 = tpu.vector_load %arg7[%parallel_loop3A_171, %parallel_loop3A_172] {strides = array<i32>} : memref<128x128xf32, #tpu.memory_space<vmem>>, vector<16xf32>,
      %parallel_loop3A_174 = arith.mulf %parallel_loop3A_173, %parallel_loop3A_170 : vector<16xf32>
      %parallel_loop3A_175 = arith.index_cast %parallel_loop3A_168 : i32 to index
      %parallel_loop3A_176 = arith.constant 0 : index
      %parallel_loop3A_177 = tpu.vector_load %arg7[%parallel_loop3A_175, %parallel_loop3A_176] {strides = array<i32>} : memref<128x128xf32, #tpu.memory_space<vmem>>, vector<16xf32>,
      tpu.vector_store %arg7[%parallel_loop3A_175, %parallel_loop3A_176], %parallel_loop3A_174 {strides = array<i32>} : memref<128x128xf32, #tpu.memory_space<vmem>>, vector<16xf32>,
      %parallel_loop3A_178 = arith.index_cast %parallel_loop3A_168 : i32 to index
      %parallel_loop3A_179 = arith.constant 16 : index
      %parallel_loop3A_180 = tpu.vector_load %arg7[%parallel_loop3A_178, %parallel_loop3A_179] {strides = array<i32>} : memref<128x128xf32, #tpu.memory_space<vmem>>, vector<16xf32>,
      %parallel_loop3A_181 = arith.mulf %parallel_loop3A_180, %parallel_loop3A_170 : vector<16xf32>
      %parallel_loop3A_182 = arith.index_cast %parallel_loop3A_168 : i32 to index
      %parallel_loop3A_183 = arith.constant 16 : index
      %parallel_loop3A_184 = tpu.vector_load %arg7[%parallel_loop3A_182, %parallel_loop3A_183] {strides = array<i32>} : memref<128x128xf32, #tpu.memory_space<vmem>>, vector<16xf32>,
      tpu.vector_store %arg7[%parallel_loop3A_182, %parallel_loop3A_183], %parallel_loop3A_181 {strides = array<i32>} : memref<128x128xf32, #tpu.memory_space<vmem>>, vector<16xf32>,
      %parallel_loop3A_185 = arith.index_cast %parallel_loop3A_168 : i32 to index
      %parallel_loop3A_186 = arith.constant 32 : index
      %parallel_loop3A_187 = tpu.vector_load %arg7[%parallel_loop3A_185, %parallel_loop3A_186] {strides = array<i32>} : memref<128x128xf32, #tpu.memory_space<vmem>>, vector<16xf32>,
      %parallel_loop3A_188 = arith.mulf %parallel_loop3A_187, %parallel_loop3A_170 : vector<16xf32>
      %parallel_loop3A_189 = arith.index_cast %parallel_loop3A_168 : i32 to index
      %parallel_loop3A_190 = arith.constant 32 : index
      %parallel_loop3A_191 = tpu.vector_load %arg7[%parallel_loop3A_189, %parallel_loop3A_190] {strides = array<i32>} : memref<128x128xf32, #tpu.memory_space<vmem>>, vector<16xf32>,
      tpu.vector_store %arg7[%parallel_loop3A_189, %parallel_loop3A_190], %parallel_loop3A_188 {strides = array<i32>} : memref<128x128xf32, #tpu.memory_space<vmem>>, vector<16xf32>,
      %parallel_loop3A_192 = arith.index_cast %parallel_loop3A_168 : i32 to index
      %parallel_loop3A_193 = arith.constant 48 : index
      %parallel_loop3A_194 = tpu.vector_load %arg7[%parallel_loop3A_192, %parallel_loop3A_193] {strides = array<i32>} : memref<128x128xf32, #tpu.memory_space<vmem>>, vector<16xf32>,
      %parallel_loop3A_195 = arith.mulf %parallel_loop3A_194, %parallel_loop3A_170 : vector<16xf32>
      %parallel_loop3A_196 = arith.index_cast %parallel_loop3A_168 : i32 to index
      %parallel_loop3A_197 = arith.constant 48 : index
      %parallel_loop3A_198 = tpu.vector_load %arg7[%parallel_loop3A_196, %parallel_loop3A_197] {strides = array<i32>} : memref<128x128xf32, #tpu.memory_space<vmem>>, vector<16xf32>,
      tpu.vector_store %arg7[%parallel_loop3A_196, %parallel_loop3A_197], %parallel_loop3A_195 {strides = array<i32>} : memref<128x128xf32, #tpu.memory_space<vmem>>, vector<16xf32>,
      %parallel_loop3A_199 = arith.index_cast %parallel_loop3A_168 : i32 to index
      %parallel_loop3A_200 = arith.constant 64 : index
      %parallel_loop3A_201 = tpu.vector_load %arg7[%parallel_loop3A_199, %parallel_loop3A_200] {strides = array<i32>} : memref<128x128xf32, #tpu.memory_space<vmem>>, vector<16xf32>,
      %parallel_loop3A_202 = arith.mulf %parallel_loop3A_201, %parallel_loop3A_170 : vector<16xf32>
      %parallel_loop3A_203 = arith.index_cast %parallel_loop3A_168 : i32 to index
      %parallel_loop3A_204 = arith.constant 64 : index
      %parallel_loop3A_205 = tpu.vector_load %arg7[%parallel_loop3A_203, %parallel_loop3A_204] {strides = array<i32>} : memref<128x128xf32, #tpu.memory_space<vmem>>, vector<16xf32>,
      tpu.vector_store %arg7[%parallel_loop3A_203, %parallel_loop3A_204], %parallel_loop3A_202 {strides = array<i32>} : memref<128x128xf32, #tpu.memory_space<vmem>>, vector<16xf32>,
      %parallel_loop3A_206 = arith.index_cast %parallel_loop3A_168 : i32 to index
      %parallel_loop3A_207 = arith.constant 80 : index
      %parallel_loop3A_208 = tpu.vector_load %arg7[%parallel_loop3A_206, %parallel_loop3A_207] {strides = array<i32>} : memref<128x128xf32, #tpu.memory_space<vmem>>, vector<16xf32>,
      %parallel_loop3A_209 = arith.mulf %parallel_loop3A_208, %parallel_loop3A_170 : vector<16xf32>
      %parallel_loop3A_210 = arith.index_cast %parallel_loop3A_168 : i32 to index
      %parallel_loop3A_211 = arith.constant 80 : index
      %parallel_loop3A_212 = tpu.vector_load %arg7[%parallel_loop3A_210, %parallel_loop3A_211] {strides = array<i32>} : memref<128x128xf32, #tpu.memory_space<vmem>>, vector<16xf32>,
      tpu.vector_store %arg7[%parallel_loop3A_210, %parallel_loop3A_211], %parallel_loop3A_209 {strides = array<i32>} : memref<128x128xf32, #tpu.memory_space<vmem>>, vector<16xf32>,
      %parallel_loop3A_213 = arith.index_cast %parallel_loop3A_168 : i32 to index
      %parallel_loop3A_214 = arith.constant 96 : index
      %parallel_loop3A_215 = tpu.vector_load %arg7[%parallel_loop3A_213, %parallel_loop3A_214] {strides = array<i32>} : memref<128x128xf32, #tpu.memory_space<vmem>>, vector<16xf32>,
      %parallel_loop3A_216 = arith.mulf %parallel_loop3A_215, %parallel_loop3A_170 : vector<16xf32>
      %parallel_loop3A_217 = arith.index_cast %parallel_loop3A_168 : i32 to index
      %parallel_loop3A_218 = arith.constant 96 : index
      %parallel_loop3A_219 = tpu.vector_load %arg7[%parallel_loop3A_217, %parallel_loop3A_218] {strides = array<i32>} : memref<128x128xf32, #tpu.memory_space<vmem>>, vector<16xf32>,
      tpu.vector_store %arg7[%parallel_loop3A_217, %parallel_loop3A_218], %parallel_loop3A_216 {strides = array<i32>} : memref<128x128xf32, #tpu.memory_space<vmem>>, vector<16xf32>,
      %parallel_loop3A_220 = arith.index_cast %parallel_loop3A_168 : i32 to index
      %parallel_loop3A_221 = arith.constant 112 : index
      %parallel_loop3A_222 = tpu.vector_load %arg7[%parallel_loop3A_220, %parallel_loop3A_221] {strides = array<i32>} : memref<128x128xf32, #tpu.memory_space<vmem>>, vector<16xf32>,
      %parallel_loop3A_223 = arith.mulf %parallel_loop3A_222, %parallel_loop3A_170 : vector<16xf32>
      %parallel_loop3A_224 = arith.index_cast %parallel_loop3A_168 : i32 to index
      %parallel_loop3A_225 = arith.constant 112 : index
      %parallel_loop3A_226 = tpu.vector_load %arg7[%parallel_loop3A_224, %parallel_loop3A_225] {strides = array<i32>} : memref<128x128xf32, #tpu.memory_space<vmem>>, vector<16xf32>,
      tpu.vector_store %arg7[%parallel_loop3A_224, %parallel_loop3A_225], %parallel_loop3A_223 {strides = array<i32>} : memref<128x128xf32, #tpu.memory_space<vmem>>, vector<16xf32>,
    } {sc.loop_unroll_factor = 1 : i64, sc.parallel_access}
    %add3A_70 = arith.constant 32 : i32
    %add3A_71 = arith.addi %mul3A_2, %add3A_70 : i32
    %dma_start3A_72 = arith.constant 32 : i32
    %dma_start3A_73 = arith.constant 0 : i32
    %dma_start3A_74 = tpu.memref_slice %arg7[%dma_start3A_72, %dma_start3A_73] : memref<128x128xf32, #tpu.memory_space<vmem>> -> memref<32x128xf32, #tpu.memory_space<vmem>>
    %dma_start3A_75 = arith.constant 0 : i32
    %dma_start3A_76 = tpu.memref_slice %arg5[%add3A_71, %dma_start3A_75] : memref<4096x128xf32, #tpu.memory_space<hbm>> -> memref<32x128xf32, #tpu.memory_space<hbm>>
    %dma_start3A_77 = arith.constant 0 : i32
    %dma_start3A_78 = tpu.memref_slice %arg5[%add3A_71, %dma_start3A_77] : memref<4096x128xf32, #tpu.memory_space<hbm>> -> memref<32x128xf32, #tpu.memory_space<hbm>>
    %dma_start3A_79 = arith.constant 32 : i32
    %dma_start3A_80 = arith.constant 0 : i32
    %dma_start3A_81 = tpu.memref_slice %arg7[%dma_start3A_79, %dma_start3A_80] : memref<128x128xf32, #tpu.memory_space<vmem>> -> memref<32x128xf32, #tpu.memory_space<vmem>>
    tpu.enqueue_dma source(%dma_start3A_81 : memref<32x128xf32, #tpu.memory_space<vmem>>) target(%dma_start3A_78 : memref<32x128xf32, #tpu.memory_space<hbm>>) target_semaphore(%arg10 : memref<!tpu.dma_semaphore, #tpu.memory_space<semaphore_mem>>)
    %dma_wait3A_82 = arith.constant 64 : i32
    %dma_wait3A_83 = arith.constant 0 : i32
    %dma_wait3A_84 = tpu.memref_slice %arg7[%dma_wait3A_82, %dma_wait3A_83] : memref<128x128xf32, #tpu.memory_space<vmem>> -> memref<32x128xf32, #tpu.memory_space<vmem>>
    %dma_wait3A_85 = arith.constant 64 : i32
    %dma_wait3A_86 = tpu.memref_slice %arg6[%dma_wait3A_85] : memref<128xi32, #tpu.memory_space<vmem>> -> memref<32xi32, #tpu.memory_space<vmem>>
    %dma_wait3A_87 = arith.constant 0 : i32
    %dma_wait3A_88 = arith.constant 0 : i32
    %dma_wait3A_89 = tpu.memref_slice %arg3[%dma_wait3A_87, %dma_wait3A_88] : memref<100000x128xf32, #tpu.memory_space<hbm>> -> memref<100000x128xf32, #tpu.memory_space<hbm>>
    tpu.wait_indirect_dma semaphore(%arg13 : memref<!tpu.dma_semaphore, #tpu.memory_space<semaphore_mem>>) src(%dma_wait3A_89 : memref<100000x128xf32, #tpu.memory_space<hbm>>) dst(%dma_wait3A_84 : memref<32x128xf32, #tpu.memory_space<vmem>>)
    %parallel_loop3A_90 = arith.constant 64 : i32
    %parallel_loop3A_91 = arith.constant 96 : i32
    %parallel_loop3A_92 = arith.constant 1 : i32
    scf.for %parallel_loop3A_168 = %parallel_loop3A_90 to %parallel_loop3A_91 step %parallel_loop3A_92  : i32 {
      %parallel_loop3A_169 = vector.broadcast %parallel_loop3A_168 : i32 to vector<16xi32>
      %parallel_loop3A_170 = tpu.vector_load_idx %arg8[%parallel_loop3A_169] : memref<128xf32, #tpu.memory_space<vmem>>[vector<16xi32>], vector<16xf32>,
      %parallel_loop3A_171 = arith.index_cast %parallel_loop3A_168 : i32 to index
      %parallel_loop3A_172 = arith.constant 0 : index
      %parallel_loop3A_173 = tpu.vector_load %arg7[%parallel_loop3A_171, %parallel_loop3A_172] {strides = array<i32>} : memref<128x128xf32, #tpu.memory_space<vmem>>, vector<16xf32>,
      %parallel_loop3A_174 = arith.mulf %parallel_loop3A_173, %parallel_loop3A_170 : vector<16xf32>
      %parallel_loop3A_175 = arith.index_cast %parallel_loop3A_168 : i32 to index
      %parallel_loop3A_176 = arith.constant 0 : index
      %parallel_loop3A_177 = tpu.vector_load %arg7[%parallel_loop3A_175, %parallel_loop3A_176] {strides = array<i32>} : memref<128x128xf32, #tpu.memory_space<vmem>>, vector<16xf32>,
      tpu.vector_store %arg7[%parallel_loop3A_175, %parallel_loop3A_176], %parallel_loop3A_174 {strides = array<i32>} : memref<128x128xf32, #tpu.memory_space<vmem>>, vector<16xf32>,
      %parallel_loop3A_178 = arith.index_cast %parallel_loop3A_168 : i32 to index
      %parallel_loop3A_179 = arith.constant 16 : index
      %parallel_loop3A_180 = tpu.vector_load %arg7[%parallel_loop3A_178, %parallel_loop3A_179] {strides = array<i32>} : memref<128x128xf32, #tpu.memory_space<vmem>>, vector<16xf32>,
      %parallel_loop3A_181 = arith.mulf %parallel_loop3A_180, %parallel_loop3A_170 : vector<16xf32>
      %parallel_loop3A_182 = arith.index_cast %parallel_loop3A_168 : i32 to index
      %parallel_loop3A_183 = arith.constant 16 : index
      %parallel_loop3A_184 = tpu.vector_load %arg7[%parallel_loop3A_182, %parallel_loop3A_183] {strides = array<i32>} : memref<128x128xf32, #tpu.memory_space<vmem>>, vector<16xf32>,
      tpu.vector_store %arg7[%parallel_loop3A_182, %parallel_loop3A_183], %parallel_loop3A_181 {strides = array<i32>} : memref<128x128xf32, #tpu.memory_space<vmem>>, vector<16xf32>,
      %parallel_loop3A_185 = arith.index_cast %parallel_loop3A_168 : i32 to index
      %parallel_loop3A_186 = arith.constant 32 : index
      %parallel_loop3A_187 = tpu.vector_load %arg7[%parallel_loop3A_185, %parallel_loop3A_186] {strides = array<i32>} : memref<128x128xf32, #tpu.memory_space<vmem>>, vector<16xf32>,
      %parallel_loop3A_188 = arith.mulf %parallel_loop3A_187, %parallel_loop3A_170 : vector<16xf32>
      %parallel_loop3A_189 = arith.index_cast %parallel_loop3A_168 : i32 to index
      %parallel_loop3A_190 = arith.constant 32 : index
      %parallel_loop3A_191 = tpu.vector_load %arg7[%parallel_loop3A_189, %parallel_loop3A_190] {strides = array<i32>} : memref<128x128xf32, #tpu.memory_space<vmem>>, vector<16xf32>,
      tpu.vector_store %arg7[%parallel_loop3A_189, %parallel_loop3A_190], %parallel_loop3A_188 {strides = array<i32>} : memref<128x128xf32, #tpu.memory_space<vmem>>, vector<16xf32>,
      %parallel_loop3A_192 = arith.index_cast %parallel_loop3A_168 : i32 to index
      %parallel_loop3A_193 = arith.constant 48 : index
      %parallel_loop3A_194 = tpu.vector_load %arg7[%parallel_loop3A_192, %parallel_loop3A_193] {strides = array<i32>} : memref<128x128xf32, #tpu.memory_space<vmem>>, vector<16xf32>,
      %parallel_loop3A_195 = arith.mulf %parallel_loop3A_194, %parallel_loop3A_170 : vector<16xf32>
      %parallel_loop3A_196 = arith.index_cast %parallel_loop3A_168 : i32 to index
      %parallel_loop3A_197 = arith.constant 48 : index
      %parallel_loop3A_198 = tpu.vector_load %arg7[%parallel_loop3A_196, %parallel_loop3A_197] {strides = array<i32>} : memref<128x128xf32, #tpu.memory_space<vmem>>, vector<16xf32>,
      tpu.vector_store %arg7[%parallel_loop3A_196, %parallel_loop3A_197], %parallel_loop3A_195 {strides = array<i32>} : memref<128x128xf32, #tpu.memory_space<vmem>>, vector<16xf32>,
      %parallel_loop3A_199 = arith.index_cast %parallel_loop3A_168 : i32 to index
      %parallel_loop3A_200 = arith.constant 64 : index
      %parallel_loop3A_201 = tpu.vector_load %arg7[%parallel_loop3A_199, %parallel_loop3A_200] {strides = array<i32>} : memref<128x128xf32, #tpu.memory_space<vmem>>, vector<16xf32>,
      %parallel_loop3A_202 = arith.mulf %parallel_loop3A_201, %parallel_loop3A_170 : vector<16xf32>
      %parallel_loop3A_203 = arith.index_cast %parallel_loop3A_168 : i32 to index
      %parallel_loop3A_204 = arith.constant 64 : index
      %parallel_loop3A_205 = tpu.vector_load %arg7[%parallel_loop3A_203, %parallel_loop3A_204] {strides = array<i32>} : memref<128x128xf32, #tpu.memory_space<vmem>>, vector<16xf32>,
      tpu.vector_store %arg7[%parallel_loop3A_203, %parallel_loop3A_204], %parallel_loop3A_202 {strides = array<i32>} : memref<128x128xf32, #tpu.memory_space<vmem>>, vector<16xf32>,
      %parallel_loop3A_206 = arith.index_cast %parallel_loop3A_168 : i32 to index
      %parallel_loop3A_207 = arith.constant 80 : index
      %parallel_loop3A_208 = tpu.vector_load %arg7[%parallel_loop3A_206, %parallel_loop3A_207] {strides = array<i32>} : memref<128x128xf32, #tpu.memory_space<vmem>>, vector<16xf32>,
      %parallel_loop3A_209 = arith.mulf %parallel_loop3A_208, %parallel_loop3A_170 : vector<16xf32>
      %parallel_loop3A_210 = arith.index_cast %parallel_loop3A_168 : i32 to index
      %parallel_loop3A_211 = arith.constant 80 : index
      %parallel_loop3A_212 = tpu.vector_load %arg7[%parallel_loop3A_210, %parallel_loop3A_211] {strides = array<i32>} : memref<128x128xf32, #tpu.memory_space<vmem>>, vector<16xf32>,
      tpu.vector_store %arg7[%parallel_loop3A_210, %parallel_loop3A_211], %parallel_loop3A_209 {strides = array<i32>} : memref<128x128xf32, #tpu.memory_space<vmem>>, vector<16xf32>,
      %parallel_loop3A_213 = arith.index_cast %parallel_loop3A_168 : i32 to index
      %parallel_loop3A_214 = arith.constant 96 : index
      %parallel_loop3A_215 = tpu.vector_load %arg7[%parallel_loop3A_213, %parallel_loop3A_214] {strides = array<i32>} : memref<128x128xf32, #tpu.memory_space<vmem>>, vector<16xf32>,
      %parallel_loop3A_216 = arith.mulf %parallel_loop3A_215, %parallel_loop3A_170 : vector<16xf32>
      %parallel_loop3A_217 = arith.index_cast %parallel_loop3A_168 : i32 to index
      %parallel_loop3A_218 = arith.constant 96 : index
      %parallel_loop3A_219 = tpu.vector_load %arg7[%parallel_loop3A_217, %parallel_loop3A_218] {strides = array<i32>} : memref<128x128xf32, #tpu.memory_space<vmem>>, vector<16xf32>,
      tpu.vector_store %arg7[%parallel_loop3A_217, %parallel_loop3A_218], %parallel_loop3A_216 {strides = array<i32>} : memref<128x128xf32, #tpu.memory_space<vmem>>, vector<16xf32>,
      %parallel_loop3A_220 = arith.index_cast %parallel_loop3A_168 : i32 to index
      %parallel_loop3A_221 = arith.constant 112 : index
      %parallel_loop3A_222 = tpu.vector_load %arg7[%parallel_loop3A_220, %parallel_loop3A_221] {strides = array<i32>} : memref<128x128xf32, #tpu.memory_space<vmem>>, vector<16xf32>,
      %parallel_loop3A_223 = arith.mulf %parallel_loop3A_222, %parallel_loop3A_170 : vector<16xf32>
      %parallel_loop3A_224 = arith.index_cast %parallel_loop3A_168 : i32 to index
      %parallel_loop3A_225 = arith.constant 112 : index
      %parallel_loop3A_226 = tpu.vector_load %arg7[%parallel_loop3A_224, %parallel_loop3A_225] {strides = array<i32>} : memref<128x128xf32, #tpu.memory_space<vmem>>, vector<16xf32>,
      tpu.vector_store %arg7[%parallel_loop3A_224, %parallel_loop3A_225], %parallel_loop3A_223 {strides = array<i32>} : memref<128x128xf32, #tpu.memory_space<vmem>>, vector<16xf32>,
    } {sc.loop_unroll_factor = 1 : i64, sc.parallel_access}
    %add3A_93 = arith.constant 64 : i32
    %add3A_94 = arith.addi %mul3A_2, %add3A_93 : i32
    %dma_start3A_95 = arith.constant 64 : i32
    %dma_start3A_96 = arith.constant 0 : i32
    %dma_start3A_97 = tpu.memref_slice %arg7[%dma_start3A_95, %dma_start3A_96] : memref<128x128xf32, #tpu.memory_space<vmem>> -> memref<32x128xf32, #tpu.memory_space<vmem>>
    %dma_start3A_98 = arith.constant 0 : i32
    %dma_start3A_99 = tpu.memref_slice %arg5[%add3A_94, %dma_start3A_98] : memref<4096x128xf32, #tpu.memory_space<hbm>> -> memref<32x128xf32, #tpu.memory_space<hbm>>
    %dma_start3A_100 = arith.constant 0 : i32
    %dma_start3A_101 = tpu.memref_slice %arg5[%add3A_94, %dma_start3A_100] : memref<4096x128xf32, #tpu.memory_space<hbm>> -> memref<32x128xf32, #tpu.memory_space<hbm>>
    %dma_start3A_102 = arith.constant 64 : i32
    %dma_start3A_103 = arith.constant 0 : i32
    %dma_start3A_104 = tpu.memref_slice %arg7[%dma_start3A_102, %dma_start3A_103] : memref<128x128xf32, #tpu.memory_space<vmem>> -> memref<32x128xf32, #tpu.memory_space<vmem>>
    tpu.enqueue_dma source(%dma_start3A_104 : memref<32x128xf32, #tpu.memory_space<vmem>>) target(%dma_start3A_101 : memref<32x128xf32, #tpu.memory_space<hbm>>) target_semaphore(%arg10 : memref<!tpu.dma_semaphore, #tpu.memory_space<semaphore_mem>>)
    %dma_wait3A_105 = arith.constant 96 : i32
    %dma_wait3A_106 = arith.constant 0 : i32
    %dma_wait3A_107 = tpu.memref_slice %arg7[%dma_wait3A_105, %dma_wait3A_106] : memref<128x128xf32, #tpu.memory_space<vmem>> -> memref<32x128xf32, #tpu.memory_space<vmem>>
    %dma_wait3A_108 = arith.constant 96 : i32
    %dma_wait3A_109 = tpu.memref_slice %arg6[%dma_wait3A_108] : memref<128xi32, #tpu.memory_space<vmem>> -> memref<32xi32, #tpu.memory_space<vmem>>
    %dma_wait3A_110 = arith.constant 0 : i32
    %dma_wait3A_111 = arith.constant 0 : i32
    %dma_wait3A_112 = tpu.memref_slice %arg3[%dma_wait3A_110, %dma_wait3A_111] : memref<100000x128xf32, #tpu.memory_space<hbm>> -> memref<100000x128xf32, #tpu.memory_space<hbm>>
    tpu.wait_indirect_dma semaphore(%arg14 : memref<!tpu.dma_semaphore, #tpu.memory_space<semaphore_mem>>) src(%dma_wait3A_112 : memref<100000x128xf32, #tpu.memory_space<hbm>>) dst(%dma_wait3A_107 : memref<32x128xf32, #tpu.memory_space<vmem>>)
    %parallel_loop3A_113 = arith.constant 96 : i32
    %parallel_loop3A_114 = arith.constant 128 : i32
    %parallel_loop3A_115 = arith.constant 1 : i32
    scf.for %parallel_loop3A_168 = %parallel_loop3A_113 to %parallel_loop3A_114 step %parallel_loop3A_115  : i32 {
      %parallel_loop3A_169 = vector.broadcast %parallel_loop3A_168 : i32 to vector<16xi32>
      %parallel_loop3A_170 = tpu.vector_load_idx %arg8[%parallel_loop3A_169] : memref<128xf32, #tpu.memory_space<vmem>>[vector<16xi32>], vector<16xf32>,
      %parallel_loop3A_171 = arith.index_cast %parallel_loop3A_168 : i32 to index
      %parallel_loop3A_172 = arith.constant 0 : index
      %parallel_loop3A_173 = tpu.vector_load %arg7[%parallel_loop3A_171, %parallel_loop3A_172] {strides = array<i32>} : memref<128x128xf32, #tpu.memory_space<vmem>>, vector<16xf32>,
      %parallel_loop3A_174 = arith.mulf %parallel_loop3A_173, %parallel_loop3A_170 : vector<16xf32>
      %parallel_loop3A_175 = arith.index_cast %parallel_loop3A_168 : i32 to index
      %parallel_loop3A_176 = arith.constant 0 : index
      %parallel_loop3A_177 = tpu.vector_load %arg7[%parallel_loop3A_175, %parallel_loop3A_176] {strides = array<i32>} : memref<128x128xf32, #tpu.memory_space<vmem>>, vector<16xf32>,
      tpu.vector_store %arg7[%parallel_loop3A_175, %parallel_loop3A_176], %parallel_loop3A_174 {strides = array<i32>} : memref<128x128xf32, #tpu.memory_space<vmem>>, vector<16xf32>,
      %parallel_loop3A_178 = arith.index_cast %parallel_loop3A_168 : i32 to index
      %parallel_loop3A_179 = arith.constant 16 : index
      %parallel_loop3A_180 = tpu.vector_load %arg7[%parallel_loop3A_178, %parallel_loop3A_179] {strides = array<i32>} : memref<128x128xf32, #tpu.memory_space<vmem>>, vector<16xf32>,
      %parallel_loop3A_181 = arith.mulf %parallel_loop3A_180, %parallel_loop3A_170 : vector<16xf32>
      %parallel_loop3A_182 = arith.index_cast %parallel_loop3A_168 : i32 to index
      %parallel_loop3A_183 = arith.constant 16 : index
      %parallel_loop3A_184 = tpu.vector_load %arg7[%parallel_loop3A_182, %parallel_loop3A_183] {strides = array<i32>} : memref<128x128xf32, #tpu.memory_space<vmem>>, vector<16xf32>,
      tpu.vector_store %arg7[%parallel_loop3A_182, %parallel_loop3A_183], %parallel_loop3A_181 {strides = array<i32>} : memref<128x128xf32, #tpu.memory_space<vmem>>, vector<16xf32>,
      %parallel_loop3A_185 = arith.index_cast %parallel_loop3A_168 : i32 to index
      %parallel_loop3A_186 = arith.constant 32 : index
      %parallel_loop3A_187 = tpu.vector_load %arg7[%parallel_loop3A_185, %parallel_loop3A_186] {strides = array<i32>} : memref<128x128xf32, #tpu.memory_space<vmem>>, vector<16xf32>,
      %parallel_loop3A_188 = arith.mulf %parallel_loop3A_187, %parallel_loop3A_170 : vector<16xf32>
      %parallel_loop3A_189 = arith.index_cast %parallel_loop3A_168 : i32 to index
      %parallel_loop3A_190 = arith.constant 32 : index
      %parallel_loop3A_191 = tpu.vector_load %arg7[%parallel_loop3A_189, %parallel_loop3A_190] {strides = array<i32>} : memref<128x128xf32, #tpu.memory_space<vmem>>, vector<16xf32>,
      tpu.vector_store %arg7[%parallel_loop3A_189, %parallel_loop3A_190], %parallel_loop3A_188 {strides = array<i32>} : memref<128x128xf32, #tpu.memory_space<vmem>>, vector<16xf32>,
      %parallel_loop3A_192 = arith.index_cast %parallel_loop3A_168 : i32 to index
      %parallel_loop3A_193 = arith.constant 48 : index
      %parallel_loop3A_194 = tpu.vector_load %arg7[%parallel_loop3A_192, %parallel_loop3A_193] {strides = array<i32>} : memref<128x128xf32, #tpu.memory_space<vmem>>, vector<16xf32>,
      %parallel_loop3A_195 = arith.mulf %parallel_loop3A_194, %parallel_loop3A_170 : vector<16xf32>
      %parallel_loop3A_196 = arith.index_cast %parallel_loop3A_168 : i32 to index
      %parallel_loop3A_197 = arith.constant 48 : index
      %parallel_loop3A_198 = tpu.vector_load %arg7[%parallel_loop3A_196, %parallel_loop3A_197] {strides = array<i32>} : memref<128x128xf32, #tpu.memory_space<vmem>>, vector<16xf32>,
      tpu.vector_store %arg7[%parallel_loop3A_196, %parallel_loop3A_197], %parallel_loop3A_195 {strides = array<i32>} : memref<128x128xf32, #tpu.memory_space<vmem>>, vector<16xf32>,
      %parallel_loop3A_199 = arith.index_cast %parallel_loop3A_168 : i32 to index
      %parallel_loop3A_200 = arith.constant 64 : index
      %parallel_loop3A_201 = tpu.vector_load %arg7[%parallel_loop3A_199, %parallel_loop3A_200] {strides = array<i32>} : memref<128x128xf32, #tpu.memory_space<vmem>>, vector<16xf32>,
      %parallel_loop3A_202 = arith.mulf %parallel_loop3A_201, %parallel_loop3A_170 : vector<16xf32>
      %parallel_loop3A_203 = arith.index_cast %parallel_loop3A_168 : i32 to index
      %parallel_loop3A_204 = arith.constant 64 : index
      %parallel_loop3A_205 = tpu.vector_load %arg7[%parallel_loop3A_203, %parallel_loop3A_204] {strides = array<i32>} : memref<128x128xf32, #tpu.memory_space<vmem>>, vector<16xf32>,
      tpu.vector_store %arg7[%parallel_loop3A_203, %parallel_loop3A_204], %parallel_loop3A_202 {strides = array<i32>} : memref<128x128xf32, #tpu.memory_space<vmem>>, vector<16xf32>,
      %parallel_loop3A_206 = arith.index_cast %parallel_loop3A_168 : i32 to index
      %parallel_loop3A_207 = arith.constant 80 : index
      %parallel_loop3A_208 = tpu.vector_load %arg7[%parallel_loop3A_206, %parallel_loop3A_207] {strides = array<i32>} : memref<128x128xf32, #tpu.memory_space<vmem>>, vector<16xf32>,
      %parallel_loop3A_209 = arith.mulf %parallel_loop3A_208, %parallel_loop3A_170 : vector<16xf32>
      %parallel_loop3A_210 = arith.index_cast %parallel_loop3A_168 : i32 to index
      %parallel_loop3A_211 = arith.constant 80 : index
      %parallel_loop3A_212 = tpu.vector_load %arg7[%parallel_loop3A_210, %parallel_loop3A_211] {strides = array<i32>} : memref<128x128xf32, #tpu.memory_space<vmem>>, vector<16xf32>,
      tpu.vector_store %arg7[%parallel_loop3A_210, %parallel_loop3A_211], %parallel_loop3A_209 {strides = array<i32>} : memref<128x128xf32, #tpu.memory_space<vmem>>, vector<16xf32>,
      %parallel_loop3A_213 = arith.index_cast %parallel_loop3A_168 : i32 to index
      %parallel_loop3A_214 = arith.constant 96 : index
      %parallel_loop3A_215 = tpu.vector_load %arg7[%parallel_loop3A_213, %parallel_loop3A_214] {strides = array<i32>} : memref<128x128xf32, #tpu.memory_space<vmem>>, vector<16xf32>,
      %parallel_loop3A_216 = arith.mulf %parallel_loop3A_215, %parallel_loop3A_170 : vector<16xf32>
      %parallel_loop3A_217 = arith.index_cast %parallel_loop3A_168 : i32 to index
      %parallel_loop3A_218 = arith.constant 96 : index
      %parallel_loop3A_219 = tpu.vector_load %arg7[%parallel_loop3A_217, %parallel_loop3A_218] {strides = array<i32>} : memref<128x128xf32, #tpu.memory_space<vmem>>, vector<16xf32>,
      tpu.vector_store %arg7[%parallel_loop3A_217, %parallel_loop3A_218], %parallel_loop3A_216 {strides = array<i32>} : memref<128x128xf32, #tpu.memory_space<vmem>>, vector<16xf32>,
      %parallel_loop3A_220 = arith.index_cast %parallel_loop3A_168 : i32 to index
      %parallel_loop3A_221 = arith.constant 112 : index
      %parallel_loop3A_222 = tpu.vector_load %arg7[%parallel_loop3A_220, %parallel_loop3A_221] {strides = array<i32>} : memref<128x128xf32, #tpu.memory_space<vmem>>, vector<16xf32>,
      %parallel_loop3A_223 = arith.mulf %parallel_loop3A_222, %parallel_loop3A_170 : vector<16xf32>
      %parallel_loop3A_224 = arith.index_cast %parallel_loop3A_168 : i32 to index
      %parallel_loop3A_225 = arith.constant 112 : index
      %parallel_loop3A_226 = tpu.vector_load %arg7[%parallel_loop3A_224, %parallel_loop3A_225] {strides = array<i32>} : memref<128x128xf32, #tpu.memory_space<vmem>>, vector<16xf32>,
      tpu.vector_store %arg7[%parallel_loop3A_224, %parallel_loop3A_225], %parallel_loop3A_223 {strides = array<i32>} : memref<128x128xf32, #tpu.memory_space<vmem>>, vector<16xf32>,
    } {sc.loop_unroll_factor = 1 : i64, sc.parallel_access}
    %add3A_116 = arith.constant 96 : i32
    %add3A_117 = arith.addi %mul3A_2, %add3A_116 : i32
    %dma_start3A_118 = arith.constant 96 : i32
    %dma_start3A_119 = arith.constant 0 : i32
    %dma_start3A_120 = tpu.memref_slice %arg7[%dma_start3A_118, %dma_start3A_119] : memref<128x128xf32, #tpu.memory_space<vmem>> -> memref<32x128xf32, #tpu.memory_space<vmem>>
    %dma_start3A_121 = arith.constant 0 : i32
    %dma_start3A_122 = tpu.memref_slice %arg5[%add3A_117, %dma_start3A_121] : memref<4096x128xf32, #tpu.memory_space<hbm>> -> memref<32x128xf32, #tpu.memory_space<hbm>>
    %dma_start3A_123 = arith.constant 0 : i32
    %dma_start3A_124 = tpu.memref_slice %arg5[%add3A_117, %dma_start3A_123] : memref<4096x128xf32, #tpu.memory_space<hbm>> -> memref<32x128xf32, #tpu.memory_space<hbm>>
    %dma_start3A_125 = arith.constant 96 : i32
    %dma_start3A_126 = arith.constant 0 : i32
    %dma_start3A_127 = tpu.memref_slice %arg7[%dma_start3A_125, %dma_start3A_126] : memref<128x128xf32, #tpu.memory_space<vmem>> -> memref<32x128xf32, #tpu.memory_space<vmem>>
    tpu.enqueue_dma source(%dma_start3A_127 : memref<32x128xf32, #tpu.memory_space<vmem>>) target(%dma_start3A_124 : memref<32x128xf32, #tpu.memory_space<hbm>>) target_semaphore(%arg10 : memref<!tpu.dma_semaphore, #tpu.memory_space<semaphore_mem>>)
    %dma_wait3A_128 = arith.constant 0 : i32
    %dma_wait3A_129 = arith.constant 0 : i32
    %dma_wait3A_130 = tpu.memref_slice %arg7[%dma_wait3A_128, %dma_wait3A_129] : memref<128x128xf32, #tpu.memory_space<vmem>> -> memref<32x128xf32, #tpu.memory_space<vmem>>
    %dma_wait3A_131 = arith.constant 0 : i32
    %dma_wait3A_132 = tpu.memref_slice %arg5[%add3A_48, %dma_wait3A_131] : memref<4096x128xf32, #tpu.memory_space<hbm>> -> memref<32x128xf32, #tpu.memory_space<hbm>>
    %dma_wait3A_133 = arith.constant 0 : i32
    %dma_wait3A_134 = tpu.memref_slice %arg5[%add3A_48, %dma_wait3A_133] : memref<4096x128xf32, #tpu.memory_space<hbm>> -> memref<32x128xf32, #tpu.memory_space<hbm>>
    %dma_wait3A_135 = arith.constant 0 : i32
    %dma_wait3A_136 = arith.constant 0 : i32
    %dma_wait3A_137 = tpu.memref_slice %arg7[%dma_wait3A_135, %dma_wait3A_136] : memref<128x128xf32, #tpu.memory_space<vmem>> -> memref<32x128xf32, #tpu.memory_space<vmem>>
    tpu.wait_dma2 semaphore(%arg10 : memref<!tpu.dma_semaphore, #tpu.memory_space<semaphore_mem>>) src(%dma_wait3A_137 : memref<32x128xf32, #tpu.memory_space<vmem>>) dst(%dma_wait3A_134 : memref<32x128xf32, #tpu.memory_space<hbm>>)
    %dma_wait3A_138 = arith.constant 32 : i32
    %dma_wait3A_139 = arith.constant 0 : i32
    %dma_wait3A_140 = tpu.memref_slice %arg7[%dma_wait3A_138, %dma_wait3A_139] : memref<128x128xf32, #tpu.memory_space<vmem>> -> memref<32x128xf32, #tpu.memory_space<vmem>>
    %dma_wait3A_141 = arith.constant 0 : i32
    %dma_wait3A_142 = tpu.memref_slice %arg5[%add3A_71, %dma_wait3A_141] : memref<4096x128xf32, #tpu.memory_space<hbm>> -> memref<32x128xf32, #tpu.memory_space<hbm>>
    %dma_wait3A_143 = arith.constant 0 : i32
    %dma_wait3A_144 = tpu.memref_slice %arg5[%add3A_71, %dma_wait3A_143] : memref<4096x128xf32, #tpu.memory_space<hbm>> -> memref<32x128xf32, #tpu.memory_space<hbm>>
    %dma_wait3A_145 = arith.constant 32 : i32
    %dma_wait3A_146 = arith.constant 0 : i32
    %dma_wait3A_147 = tpu.memref_slice %arg7[%dma_wait3A_145, %dma_wait3A_146] : memref<128x128xf32, #tpu.memory_space<vmem>> -> memref<32x128xf32, #tpu.memory_space<vmem>>
    tpu.wait_dma2 semaphore(%arg10 : memref<!tpu.dma_semaphore, #tpu.memory_space<semaphore_mem>>) src(%dma_wait3A_147 : memref<32x128xf32, #tpu.memory_space<vmem>>) dst(%dma_wait3A_144 : memref<32x128xf32, #tpu.memory_space<hbm>>)
    %dma_wait3A_148 = arith.constant 64 : i32
    %dma_wait3A_149 = arith.constant 0 : i32
    %dma_wait3A_150 = tpu.memref_slice %arg7[%dma_wait3A_148, %dma_wait3A_149] : memref<128x128xf32, #tpu.memory_space<vmem>> -> memref<32x128xf32, #tpu.memory_space<vmem>>
    %dma_wait3A_151 = arith.constant 0 : i32
    %dma_wait3A_152 = tpu.memref_slice %arg5[%add3A_94, %dma_wait3A_151] : memref<4096x128xf32, #tpu.memory_space<hbm>> -> memref<32x128xf32, #tpu.memory_space<hbm>>
    %dma_wait3A_153 = arith.constant 0 : i32
    %dma_wait3A_154 = tpu.memref_slice %arg5[%add3A_94, %dma_wait3A_153] : memref<4096x128xf32, #tpu.memory_space<hbm>> -> memref<32x128xf32, #tpu.memory_space<hbm>>
    %dma_wait3A_155 = arith.constant 64 : i32
    %dma_wait3A_156 = arith.constant 0 : i32
    %dma_wait3A_157 = tpu.memref_slice %arg7[%dma_wait3A_155, %dma_wait3A_156] : memref<128x128xf32, #tpu.memory_space<vmem>> -> memref<32x128xf32, #tpu.memory_space<vmem>>
    tpu.wait_dma2 semaphore(%arg10 : memref<!tpu.dma_semaphore, #tpu.memory_space<semaphore_mem>>) src(%dma_wait3A_157 : memref<32x128xf32, #tpu.memory_space<vmem>>) dst(%dma_wait3A_154 : memref<32x128xf32, #tpu.memory_space<hbm>>)
    %dma_wait3A_158 = arith.constant 96 : i32
    %dma_wait3A_159 = arith.constant 0 : i32
    %dma_wait3A_160 = tpu.memref_slice %arg7[%dma_wait3A_158, %dma_wait3A_159] : memref<128x128xf32, #tpu.memory_space<vmem>> -> memref<32x128xf32, #tpu.memory_space<vmem>>
    %dma_wait3A_161 = arith.constant 0 : i32
    %dma_wait3A_162 = tpu.memref_slice %arg5[%add3A_117, %dma_wait3A_161] : memref<4096x128xf32, #tpu.memory_space<hbm>> -> memref<32x128xf32, #tpu.memory_space<hbm>>
    %dma_wait3A_163 = arith.constant 0 : i32
    %dma_wait3A_164 = tpu.memref_slice %arg5[%add3A_117, %dma_wait3A_163] : memref<4096x128xf32, #tpu.memory_space<hbm>> -> memref<32x128xf32, #tpu.memory_space<hbm>>
    %dma_wait3A_165 = arith.constant 96 : i32
    %dma_wait3A_166 = arith.constant 0 : i32
    %dma_wait3A_167 = tpu.memref_slice %arg7[%dma_wait3A_165, %dma_wait3A_166] : memref<128x128xf32, #tpu.memory_space<vmem>> -> memref<32x128xf32, #tpu.memory_space<vmem>>
    tpu.wait_dma2 semaphore(%arg10 : memref<!tpu.dma_semaphore, #tpu.memory_space<semaphore_mem>>) src(%dma_wait3A_167 : memref<32x128xf32, #tpu.memory_space<vmem>>) dst(%dma_wait3A_164 : memref<32x128xf32, #tpu.memory_space<hbm>>)
    return
  }
}

</mosaic_0001>

<sc_bundles>
// kernel: kernel.3.cloned.1.call-start
scs
__scs_entry_jumppad:
0x0: {  	(pc) =	sbr.rel $0x88, $3  }
0x1: {  	(tag) =	ssettag $0x0;
	lr =	simm.s32 $0x1  }
0x2: {  	[smem:$0x3F9E] =	sst lr;
	_ =	strace $0xD0000000  }
0x3: {  	_ = 	snop  }
0x4: {  	_ = 	snop  }
0x5: {  	_ = 	snop  }
0x6: {  	_ = 	snop  }
0x7: {  	_ = 	snop  }
__scs_overlays_trampoline_lowered:
0x8: {  	[smem:$0x3FAD] =	sst s0  }
0x9: {  	[smem:$0x3FAE] =	sst s1  }
0xa: {  	[smem:$0x3FAF] =	sst s2  }
0xb: {  	[smem:$0x3FB0] =	sst s3  }
0xc: {  	[smem:$0x3FB1] =	sst s4  }
0xd: {  	[smem:$0x3FB2] =	sst s5  }
0xe: {  	[smem:$0x3FB3] =	sst s6  }
0xf: {  	[smem:$0x3FB4] =	sst s7  }
0x10: {  	[smem:$0x3FB5] =	sst s8  }
0x11: {  	[smem:$0x3FB6] =	sst s9;
	s0 =	simm.s32 @!p0 $0x0  }
0x12: {  	s1 =	sld [smem:$0x3F9C];
	s0 =	simm.s32 @p0 $0x1  }
0x13: {  	[smem:$0x3FB7] =	sst s0;
	s0 =	simm.s32 @!p1 $0x0  }
0x14: {  	s2 =	sld [smem:$0x3F9B];
	s0 =	simm.s32 @p1 $0x1  }
0x15: {  	[smem:$0x3FB8] =	sst s0;
	s0 =	simm.s32 @!p2 $0x0  }
0x16: {  	s3 =	sld [smem:$0x3FDB];
	s0 =	simm.s32 @p2 $0x1  }
0x17: {  	s4 =	simm.s32 $0x1BF5;
	[smem:$0x3FBA] =	sst s0  }
0x18: {  	s0 =	sld [smem:$0x3F9D];
	_ =	swait.ge [sflag:s4], $0x0  }
0x19: {  	s7 =	sld [smem:$0x3F9E]  }
0x1a: {  	s8 =	sadd.s32 $0xFFFFE003, lr  }
0x1b: {  	s9 =	sadd.s32 $0xFFFFFEF7, lr;
	s5 =	simm.s32 $0xFFFFFFFF;
	p2 =	slt.u32 s8, $0xFFFFF086  }
0x1c: {  	p1 =	slt.u32 s9, $0xF7A;
	s5 =	simm.s32 @!p2 $0x0  }
0x1d: {  	s5 =	simm.s32 @p1 $0x1;
	p0 =	seq.s32 s7, s2  }
0x1e: {  	s7 =	smul.u32 @!p0 $0xF7A, s2;
	p2 =	seq.s32 @!p0 s5, $0x0  }
0x1f: {  	s9 =	smul.u32 $0xF7A, s1;
	s8 =	simm.s32 @!p0 $0x1BF5;
	p2 =	por !p2, p0  }
0x20: {  	[sflag:s8] =	ssyncset.s32 @!p0 $0xFFFFF086;
	s6 =	sadd.s32 @!p0 s3, s7;
	s7 =	simm.s32 @!p0 $0x108  }
0x21: {  	s3 =	sadd.s32 s3, s9;
	s6 =	sadd.s32 @!p0 $0x88, s6;
	s7 =	simm.s32 @p2 $0x1082  }
0x22: {  	[simem:s7], [sflag:s8] =	dma.local @!p0 [hbm:s6], $0xF7A  }
0x23: {  	s9 =	sor.u32 $0xD0000000, s2;
	s6 =	simm.s32 $0x108;
	_ =	swait.ge @!p0 [sflag:s8], $0x0  }
0x24: {  	s3 =	sadd.s32 $0x88, s3;
	s6 =	simm.s32 @!p1 $0x1082;
	[sflag:s4] =	ssyncset.s32 $0xFFFFF086  }
0x25: {  	[simem:s6], [sflag:s4] =	dma.local [hbm:s3], $0xF7A  }
0x26: {  	[smem:$0x3F9E] =	sst s1;
	(tag) =	ssettag s2;
	_ =	strace s9  }
0x27: {  	s1 =	sld [smem:$0x3FAE]  }
0x28: {  	s2 =	sld [smem:$0x3FAF]  }
0x29: {  	s4 =	sld [smem:$0x3FB1]  }
0x2a: {  	p0 =	seq.s32 s5, $0x0;
	s5 =	sld [smem:$0x3FB2]  }
0x2b: {  	s6 =	sld [smem:$0x3FB3]  }
0x2c: {  	s7 =	sld [smem:$0x3FB4]  }
0x2d: {  	s3 =	simm.s32 $0x108;
	s8 =	sld [smem:$0x3FB5]  }
0x2e: {  	s3 =	simm.s32 @!p0 $0x1082;
	s9 =	sld [smem:$0x3FB6]  }
0x2f: {  	lr =	sadd.s32 s0, s3;
	s0 =	sld [smem:$0x3FAD]  }
0x30: {  	s3 =	sld [smem:$0x3FB0]  }
0x31: {  	[smem:$0x3FB9] =	sst s10  }
0x32: {  	s10 =	sld [smem:$0x3FB7];
	_ =	sdelay $0x3  }
0x33: {  	p0 =	seq.s32 s10, $0x1;
	s10 =	sld [smem:$0x3FB9];
	_ =	sdelay $0x3  }
0x34: {  	[smem:$0x3FB9] =	sst s10  }
0x35: {  	s10 =	sld [smem:$0x3FB8];
	_ =	sdelay $0x3  }
0x36: {  	p1 =	seq.s32 s10, $0x1;
	s10 =	sld [smem:$0x3FB9];
	_ =	sdelay $0x3  }
0x37: {  	[smem:$0x3FB9] =	sst s10  }
0x38: {  	s10 =	sld [smem:$0x3FBA]  }
0x39: {  	_ = 	snop;
	(pc) =	sbr.ind lr, $3  }
0x3a: {  	_ = 	snop  }
0x3b: {  	_ = 	snop  }
0x3c: {  	p2 =	seq.s32 s10, $0x1;
	s10 =	sld [smem:$0x3FB9]  }
0x3d: {  	_ =	shalt  }
0x3e: {  	_ =	shalt  }
0x3f: {  	_ =	shalt  }
0x40: {  	_ =	shalt  }
0x41: {  	_ =	shalt  }
0x42: {  	_ =	shalt  }
0x43: {  	_ =	shalt  }
0x44: {  	_ =	shalt  }
0x45: {  	_ =	shalt  }
0x46: {  	_ =	shalt  }
0x47: {  	_ =	shalt  }
0x48: {  	_ =	shalt  }
0x49: {  	_ =	shalt  }
0x4a: {  	_ =	shalt  }
0x4b: {  	_ =	shalt  }
0x4c: {  	_ =	shalt  }
0x4d: {  	_ =	shalt  }
0x4e: {  	_ =	shalt  }
0x4f: {  	_ =	shalt  }
0x50: {  	_ =	shalt  }
0x51: {  	_ =	shalt  }
0x52: {  	_ =	shalt  }
0x53: {  	_ =	shalt  }
0x54: {  	_ =	shalt  }
0x55: {  	_ =	shalt  }
0x56: {  	_ =	shalt  }
0x57: {  	_ =	shalt  }
0x58: {  	_ =	shalt  }
0x59: {  	_ =	shalt  }
0x5a: {  	_ =	shalt  }
0x5b: {  	_ =	shalt  }
0x5c: {  	_ =	shalt  }
0x5d: {  	_ =	shalt  }
0x5e: {  	_ =	shalt  }
0x5f: {  	_ =	shalt  }
0x60: {  	_ =	shalt  }
0x61: {  	_ =	shalt  }
0x62: {  	_ =	shalt  }
0x63: {  	_ =	shalt  }
0x64: {  	_ =	shalt  }
0x65: {  	_ =	shalt  }
0x66: {  	_ =	shalt  }
0x67: {  	_ =	shalt  }
0x68: {  	_ =	shalt  }
0x69: {  	_ =	shalt  }
0x6a: {  	_ =	shalt  }
0x6b: {  	_ =	shalt  }
0x6c: {  	_ =	shalt  }
0x6d: {  	_ =	shalt  }
0x6e: {  	_ =	shalt  }
0x6f: {  	_ =	shalt  }
0x70: {  	_ =	shalt  }
0x71: {  	_ =	shalt  }
0x72: {  	_ =	shalt  }
0x73: {  	_ =	shalt  }
0x74: {  	_ =	shalt  }
0x75: {  	_ =	shalt  }
0x76: {  	_ =	shalt  }
0x77: {  	_ =	shalt  }
0x78: {  	_ =	shalt  }
0x79: {  	_ =	shalt  }
0x7a: {  	_ =	shalt  }
0x7b: {  	_ =	shalt  }
0x7c: {  	_ =	shalt  }
0x7d: {  	_ =	shalt  }
0x7e: {  	_ =	shalt  }
0x7f: {  	_ =	shalt  }
0x80: {  	_ =	shalt  }
0x81: {  	_ =	shalt  }
0x82: {  	_ =	shalt  }
0x83: {  	_ =	shalt  }
0x84: {  	_ =	shalt  }
0x85: {  	_ =	shalt  }
0x86: {  	_ =	shalt  }
0x87: {  	_ =	shalt  }
.Lfunc_end0:
.L_simem_size_0:
called_computation_lowered:
.L_overlay_start_0:
0x88: {  	s2 =	sld [smem:$0x3FD9]  }
0x89: {  	s3 =	sld [smem:$0x3FFE];
	_ =	sdelay $0x1  }
0x8a: {  	s1 =	srdreg.scid  }
0x8b: {  	s0 =	sand.u32 $0x1, s1  }
0x8c: {  	s17 =	sshll.u32 s0, $0xA;
	s2 =	sadd.s32 s3, s2  }
0x8d: {  	s2 =	sadd.s32 s2, s17  }
0x8e: {  	[smem:$0x3FC5] =	sst s2  }
0x8f: {  	_ = 	snop  }
0x90: {  	s2 =	sld [smem:$0x3FC9]  }
0x91: {  	s18 =	sld [smem:$0x3FC8]  }
0x92: {  	s4 =	sld [smem:$0x3FD0];
	(tm) =	ssettm $0x1  }
0x93: {  	s5 =	sld [smem:$0x3FFB];
	_ =	sdelay $0x3  }
0x94: {  	_ =	strace s5  }
0x95: {  	s5 =	sld [smem:$0x3FFC];
	_ =	sdelay $0x3  }
0x96: {  	_ =	strace s5  }
0x97: {  	s5 =	sld [smem:$0x3FFD];
	_ =	sdelay $0x3  }
0x98: {  	_ =	strace s5  }
0x99: {  	_ =	strace $0x8FFFFFFF  }
0x9a: {  	s19 =	sld [smem:$0x3FDB];
	_ =	sdelay $0x1  }
0x9b: {  	s6 =	simm.s32 $_scs_section_size  }
0x9c: {  	s7 =	simm.s32 $_size__tile_overlayer_lowered;
	s8 =	simm.s32 $_tile_overlayer_lowered  }
0x9d: {  	s22 =	simm.s32 $0x1BFF;
	s21 =	sshll.u32 s8, $0x1;
	s5 =	sadd.s32 s6, s19  }
0x9e: {  	s9 =	simm.s32 $0x0;
	s20 =	sshll.u32 s7, $0x1;
	s7 =	sadd.s32 s21, s5  }
0x9f: {  	[timem:s9], [sflag:s22] =	dma.local [hbm:s7], s20  }
0xa0: {  	_ =	swait.ge [sflag:s22], s20  }
0xa1: {  	s6 =	ssub.s32 $0x0, s20;
	[sflag:s22] =	ssyncset.done $0x0  }
0xa2: {  	[sflag:s22] =	ssyncadd.s32 s6;
	_ =	sdelay $0x1  }
0xa3: {  	s23 =	simm.s32 $0x1B8B  }
0xa4: {  	_ =	swait.ge [sflag:s23], $0x1  }
0xa5: {  	[sflag:s23] =	ssyncset.done $0x0  }
0xa6: {  	s25 =	simm.s32 $0x1B8E;
	s24 =	sld [smem:$0x3FFE];
	[sflag:s23] =	ssyncadd.s32 $0xFFFFFFFF  }
0xa7: {  	s26 =	simm.s32 $execute0_lowered;
	[smem:$0x3FD2] =	sst s25  }
0xa8: {  	s7 =	sshll.u32 s26, $0x1;
	_ =	strace $0x80000046;
	[dreg:$0x1] =	wrdreg $0xFFFFFFFF  }
0xa9: {  	s28 =	simm.s32 $_size_execute0_lowered;
	s5 =	sadd.s32 s5, s7;
	[dreg:$0x0] =	wrdreg $0x0  }
0xaa: {  	s7 =	sshll.u32 s28, $0x1;
	[dreg:$0x2] =	wrdreg s5  }
0xab: {  	[dreg:$0x3] =	wrdreg s7  }
0xac: {  	[dreg:$0x4] =	wrdreg $0xC0  }
0xad: {  	_ =	task [dreg:s9], $0x5FFFF  }
0xae: {  	[dreg:$0x1] =	wrdreg $0xFFFFFFFF  }
0xaf: {  	[dreg:$0x0] =	wrdreg $0x60  }
0xb0: {  	[dreg:$0x2] =	wrdreg s2  }
0xb1: {  	[dreg:$0x3] =	wrdreg s18  }
0xb2: {  	[dreg:$0x4] =	wrdreg s24  }
0xb3: {  	[dreg:$0x5] =	wrdreg s4  }
0xb4: {  	[dreg:$0x6] =	wrdreg $0x9  }
0xb5: {  	_ =	task.clear_ibuf [dreg:s9], $0x7FFFF;
	_ =	strace $0x90000046  }
0xb6: {  	s29 =	simm.s32 $0x9;
	_ =	strace $0x80000048  }
0xb7: {  	_ =	swait.ge [sflag:s29], $0x1  }
0xb8: {  	[sflag:s29] =	ssyncadd.s32 $0xFFFFFFFF  }
0xb9: {  	_ =	strace $0x90000048  }
0xba: {  	_ =	sfence  }
0xbb: {  	s30 =	sld [smem:$0x0];
	_ =	sdelay $0x2  }
0xbc: {  	s31 =	sshll.u32 s1, $0xD;
	s1 =	sshrl.u32 s1, $0x2  }
0xbd: {  	s3 =	sand.u32 $0x4000, s31;
	s1 =	sadd.s32 s1, s30  }
0xbe: {  	s0 =	sor.u32 s3, s0;
	s1 =	sshll.u32 s1, $0x11  }
0xbf: {  	s0 =	sor.u32 s1, s0  }
0xc0: {  	s0 =	sadd.s32 $0x8F2B, s0  }
0xc1: {  	[sflag:s0] =	ssyncadd.remote.s32 $0x1  }
0xc2: {  	_ =	sfence.sel $0xFFFF  }
0xc3: {  	[dreg:$0x0] =	wrdreg $0xFFFFFFFF;
	(pc) =	sbr.abs _section_cstart, $3  }
0xc4: {  	[dreg:$0x1] =	wrdreg $0xFFFFFFFF  }
0xc5: {  	_ =	task.clear_ibuf [dreg:s9], $0x2FFFF;
	_ =	strace $0x9FFFFFFF  }
0xc6: {  	(tm) =	ssettm $0x7FFFFFFF  }
0xc7: {  	_ =	shalt  }
tec
execute0_lowered:
.L_overlay_start_1:
0x0: {  	(tag) =	ssettag $0x1  }
0x1: {  	s6 =	rddreg [dreg:$0x0]  }
0x2: {  	s1 =	rddreg [dreg:$0x1]  }
0x3: {  	s3 =	rddreg [dreg:$0x2]  }
0x4: {  	s5 =	rddreg [dreg:$0x3];
	s4 =	srdreg.scid  }
0x5: {  	s0 =	rddreg [dreg:$0x4];
	s2 =	stileid.u32;
	s12 =	simm.s32 $0x80  }
0x6: {  	s13 =	simm.s32 $0x4080;
	s14 =	simm.s32 $0x20;
	s15 =	simm.s32 $0x1080  }
0x7: {  	s16 =	simm.s32 $0x40;
	s17 =	simm.s32 $0x2080;
	s18 =	simm.s32 $0x60  }
0x8: {  	s19 =	simm.s32 $0x3080;
	s20 =	simm.s32 $0x1;
	s21 =	simm.s32 $0x3  }
0x9: {  	s22 =	simm.s32 $0x4;
	s23 =	simm.s32 $0x5;
	s24 =	simm.s32 $0x6  }
0xa: {  	s25 =	simm.s32 $0x2;
	s26 =	simm.s32 $0x0;
	s7 =	sand.u32 $0x1, s4  }
0xb: {  	s4 =	simm.s32 $0x0;
	s8 =	sshll.u32 s2, $0x8;
	s9 =	sshll.u32 s7, $0x7  }
0xc: {  	[smem:$0x7FF] =	sst s4;
	s7 =	ssub.s32 $0x2, s7;
	s8 =	sor.u32 s9, s8  }
0xd: {  	_ =	strace $0x80000047;
	s30 =	sshrl.u32 s7, $0x1;
	s10 =	sshll.u32 s8, $0x4  }
0xe: {  	s11 =	ssub.s32 s7, s30;
	s31 =	sshrl.u32 s8, $0x3;
	s5 =	sadd.s32 s5, s10  }
0xf: {  	s6 =	sadd.s32 s6, s31;
	s10 =	smax.u32 s11, $0x1;
	s11 =	simm.s32 $0x7  }
0x10: {  	s7 =	sadd.s32 $0x200, s5;
	s8 =	sadd.s32 $0x400, s5;
	s9 =	sadd.s32 $0x600, s5  }
.LBB2_1:
0x11: {  	[tilespmem:s4], [sflag:$0x7] =	stream.linear.gather [hbm4b:s6+s4], $0x80, $0x38;
	[tilespmem:$0x4100] =	vst v63  }
0x12: {  	_ =	swait.ge [sflag:s11], $0x80  }
0x13: {  	[sflag:s11] =	ssyncset.done $0x0  }
0x14: {  	[sflag:s11] =	ssyncadd.s32 $0xFFFFFF80  }
0x15: {  	[tilespmem:s13], [sflag:$0x1] =	stream.indirect.gather [hbm4b:s3+s12], $0x1, s4, s12, $0xb8;
	[tilespmem:$0x4100] =	vst v63  }
0x16: {  	_ = 	snop  }
0x17: {  	[tilespmem:s12], [sflag:$0x3] =	stream.indirect.gather [hbm4b:s1+s14], $0x80, s4, s14, $0xb8;
	[tilespmem:$0x4100] =	vst v63  }
0x18: {  	_ = 	snop  }
0x19: {  	[tilespmem:s15], [sflag:$0x4] =	stream.indirect.gather [hbm4b:s1+s14], $0x80, s14, s14, $0xb8;
	[tilespmem:$0x4100] =	vst v63  }
0x1a: {  	_ = 	snop  }
0x1b: {  	[tilespmem:s17], [sflag:$0x5] =	stream.indirect.gather [hbm4b:s1+s14], $0x80, s16, s14, $0xb8;
	[tilespmem:$0x4100] =	vst v63  }
0x1c: {  	_ = 	snop  }
0x1d: {  	[tilespmem:s19], [sflag:$0x6] =	stream.indirect.gather [hbm4b:s1+s14], $0x80, s18, s14, $0xb8;
	[tilespmem:$0x4100] =	vst v63  }
0x1e: {  	_ =	swait.ge [sflag:s20], $0x80  }
0x1f: {  	v0 =	vmov s4;
	[sflag:s20] =	ssyncset.done $0x0  }
0x20: {  	[sflag:s20] =	ssyncadd.s32 $0xFFFFFF80  }
0x21: {  	_ =	swait.ge [sflag:s21], $0x1000  }
0x22: {  	[sflag:s21] =	ssyncset.done $0x0  }
0x23: {  	[sflag:s21] =	ssyncadd.s32 $0xFFFFF000  }
0x24: {  	s29 =	simm.s32 $0xC0;
	v7 =	vld.idx.msk [tilespmem:v0+s13+$0x0], $0xffff  }
0x25: {  	v0 =	vld [tilespmem:s29+$0x30]  }
0x26: {  	v1 =	vld [tilespmem:s29+$0xFFFFFFC0]  }
0x27: {  	v2 =	vld [tilespmem:s29+$0xFFFFFFD0]  }
0x28: {  	s28 =	simm.s32 $0x1;
	v3 =	vld [tilespmem:s29+$0xFFFFFFE0]  }
0x29: {  	v4 =	vmov s28;
	v6 =	vld [tilespmem:s29+$0x0]  }
0x2a: {  	v5 =	vld [tilespmem:s29+$0xFFFFFFF0];
	v0 =	vmul.f32 v0, v7  }
0x2b: {  	v8 =	vld [tilespmem:s29+$0x10];
	v1 =	vmul.f32 v1, v7  }
0x2c: {  	s28 =	simm.s32 $0x140;
	v9 =	vld [tilespmem:s29+$0x20];
	v10 =	vmul.f32 v2, v7;
	[tilespmem:s29+$0x30] =	vst v0  }
0x2d: {  	v3 =	vmul.f32 v3, v7;
	v2 =	vld [tilespmem:s28+$0x30];
	[tilespmem:s29+$0xFFFFFFC0] =	vst v1  }
0x2e: {  	v63 =	vmul.f32 v6, v7;
	v0 =	vld.idx.msk [tilespmem:v4+s13+$0x0], $0xffff;
	[tilespmem:s29+$0xFFFFFFD0] =	vst v10  }
0x2f: {  	v4 =	vmul.f32 v5, v7;
	v1 =	vld [tilespmem:s28+$0xFFFFFFC0];
	[tilespmem:s29+$0xFFFFFFE0] =	vst v3  }
0x30: {  	s30 =	simm.s32 $0x2;
	v6 =	vmul.f32 v8, v7;
	v3 =	vld [tilespmem:s28+$0xFFFFFFD0];
	[tilespmem:s29+$0x0] =	vst v63  }
0x31: {  	v5 =	vmov s30;
	s30 =	simm.s32 $0x3;
	v7 =	vmul.f32 v9, v7;
	[tilespmem:s29+$0xFFFFFFF0] =	vst v4;
	v4 =	vld [tilespmem:s28+$0xFFFFFFE0]  }
.LBB2_2:
0x32: {  	p0 =	sne.s32 s30, $0x1F;
	v8 =	vld [tilespmem:s28+$0xFFFFFFF0];
	[tilespmem:s29+$0x10] =	vst v6  }
0x33: {  	v6 =	vld [tilespmem:s28+$0x0];
	v2 =	vmul.f32 v2, v0;
	[tilespmem:s29+$0x20] =	vst v7;
	v7 =	vmov v0;
	s29 =	smov.u32 s28  }
0x34: {  	v1 =	vmul.f32 v1, v7;
	v9 =	vld [tilespmem:s28+$0x10]  }
0x35: {  	v3 =	vmul.f32 v3, v7;
	v10 =	vld [tilespmem:s28+$0x20];
	[tilespmem:s28+$0x30] =	vst v2  }
.Ltmp0:
0x36: {  	s28 =	sadd.s32 $0x80, s28;
	v0 =	vld.idx.msk [tilespmem:v5+s13+$0x0], $0xffff;
	[tilespmem:s29+$0xFFFFFFC0] =	vst v1;
	v4 =	vmul.f32 v4, v7;
	(pc) =	sbr.rel @p0 .LBB2_2-.Ltmp0, $4  }
0x37: {  	v2 =	vld [tilespmem:s28+$0x30];
	[tilespmem:s29+$0xFFFFFFD0] =	vst v3;
	v5 =	vmul.f32 v8, v7  }
0x38: {  	v1 =	vld [tilespmem:s28+$0xFFFFFFC0];
	[tilespmem:s29+$0xFFFFFFE0] =	vst v4;
	v8 =	vmul.f32 v6, v7  }
0x39: {  	v3 =	vld [tilespmem:s28+$0xFFFFFFD0];
	[tilespmem:s29+$0xFFFFFFF0] =	vst v5;
	v6 =	vmul.f32 v9, v7  }
0x3a: {  	v5 =	vmov s30;
	s30 =	sadd.s32 $0x1, s30;
	v4 =	vld [tilespmem:s28+$0xFFFFFFE0];
	[tilespmem:s29+$0x0] =	vst v8;
	v7 =	vmul.f32 v10, v7  }
0x3b: {  	v8 =	vld [tilespmem:s28+$0xFFFFFFF0]  }
0x3c: {  	v9 =	vld [tilespmem:s28+$0x0]  }
0x3d: {  	[tilespmem:s29+$0x10] =	vst v6;
	v6 =	vld [tilespmem:s28+$0x10];
	v2 =	vmul.f32 v2, v0  }
0x3e: {  	[tilespmem:s29+$0x20] =	vst v7;
	v7 =	vld [tilespmem:s28+$0x20];
	v1 =	vmul.f32 v1, v0  }
0x3f: {  	s29 =	sadd.s32 $0x80, s28;
	v3 =	vmul.f32 v3, v0;
	[tilespmem:s28+$0x30] =	vst v2;
	v2 =	vld.idx.msk [tilespmem:v5+s13+$0x0], $0xffff  }
0x40: {  	[tilespmem:s28+$0xFFFFFFC0] =	vst v1;
	v1 =	vmul.f32 v4, v0;
	v4 =	vld [tilespmem:s29+$0x30]  }
0x41: {  	v5 =	vld [tilespmem:s29+$0xFFFFFFC0];
	[tilespmem:s28+$0xFFFFFFD0] =	vst v3;
	v3 =	vmul.f32 v8, v0  }
0x42: {  	v8 =	vld [tilespmem:s29+$0xFFFFFFD0];
	[tilespmem:s28+$0xFFFFFFE0] =	vst v1;
	v1 =	vmul.f32 v9, v0  }
0x43: {  	[tilespmem:s28+$0xFFFFFFF0] =	vst v3;
	v3 =	vmul.f32 v6, v0;
	v6 =	vld [tilespmem:s29+$0xFFFFFFE0]  }
0x44: {  	v0 =	vmul.f32 v7, v0;
	[tilespmem:s28+$0x0] =	vst v1;
	v1 =	vld [tilespmem:s29+$0xFFFFFFF0]  }
0x45: {  	[tilespmem:s28+$0x10] =	vst v3;
	v3 =	vld [tilespmem:s29+$0x0];
	v4 =	vmul.f32 v4, v2  }
0x46: {  	[tilespmem:s28+$0x20] =	vst v0;
	v0 =	vmul.f32 v5, v2;
	v5 =	vld [tilespmem:s29+$0x10]  }
0x47: {  	v7 =	vmul.f32 v8, v2;
	v8 =	vld [tilespmem:s29+$0x20];
	[tilespmem:s29+$0x30] =	vst v4  }
0x48: {  	[tilespmem:s29+$0xFFFFFFC0] =	vst v0;
	v0 =	vmul.f32 v6, v2  }
0x49: {  	[tilespmem:s29+$0xFFFFFFD0] =	vst v7;
	v1 =	vmul.f32 v1, v2  }
0x4a: {  	[tilespmem:s29+$0xFFFFFFE0] =	vst v0;
	v0 =	vmul.f32 v3, v2  }
0x4b: {  	[tilespmem:s29+$0xFFFFFFF0] =	vst v1;
	v1 =	vmul.f32 v5, v2  }
0x4c: {  	[tilespmem:s29+$0x0] =	vst v0;
	v0 =	vmul.f32 v8, v2  }
0x4d: {  	s28 =	simm.s32 $0x20;
	[tilespmem:s29+$0x10] =	vst v1  }
0x4e: {  	[tilespmem:s29+$0x20] =	vst v0;
	v0 =	vmov s28  }
0x4f: {  	[hbm4b:s5+s4] =	stream.linear.scatter [tilespmem:s12], [sflag:$0x2], $0x1000, $0x38;
	[tilespmem:$0x4100] =	vst v63  }
0x50: {  	_ =	swait.ge [sflag:s22], $0x1000  }
0x51: {  	[sflag:s22] =	ssyncset.done $0x0  }
0x52: {  	[sflag:s22] =	ssyncadd.s32 $0xFFFFF000  }
0x53: {  	s29 =	simm.s32 $0x10F0;
	v7 =	vld.idx.msk [tilespmem:v0+s13+$0x0], $0xffff  }
0x54: {  	v0 =	vld [tilespmem:s29+$0x0]  }
0x55: {  	v1 =	vld [tilespmem:s29+$0xFFFFFF90]  }
0x56: {  	v2 =	vld [tilespmem:s29+$0xFFFFFFA0]  }
0x57: {  	s28 =	simm.s32 $0x21;
	v3 =	vld [tilespmem:s29+$0xFFFFFFB0]  }
0x58: {  	v4 =	vmov s28;
	v6 =	vld [tilespmem:s29+$0xFFFFFFD0]  }
0x59: {  	v5 =	vld [tilespmem:s29+$0xFFFFFFC0];
	v0 =	vmul.f32 v0, v7  }
0x5a: {  	v8 =	vld [tilespmem:s29+$0xFFFFFFE0];
	v1 =	vmul.f32 v1, v7  }
0x5b: {  	s28 =	simm.s32 $0x1170;
	v62 =	vld [tilespmem:s29+$0xFFFFFFF0];
	v10 =	vmul.f32 v2, v7;
	[tilespmem:s29+$0x0] =	vst v0  }
0x5c: {  	v3 =	vmul.f32 v3, v7;
	v2 =	vld [tilespmem:s28+$0x0];
	[tilespmem:s29+$0xFFFFFF90] =	vst v1  }
0x5d: {  	v63 =	vmul.f32 v6, v7;
	v0 =	vld.idx.msk [tilespmem:v4+s13+$0x0], $0xffff;
	[tilespmem:s29+$0xFFFFFFA0] =	vst v10  }
0x5e: {  	v4 =	vmul.f32 v5, v7;
	v1 =	vld [tilespmem:s28+$0xFFFFFF90];
	[tilespmem:s29+$0xFFFFFFB0] =	vst v3  }
0x5f: {  	s30 =	simm.s32 $0x22;
	v6 =	vmul.f32 v8, v7;
	v3 =	vld [tilespmem:s28+$0xFFFFFFA0];
	[tilespmem:s29+$0xFFFFFFD0] =	vst v63  }
0x60: {  	v5 =	vmov s30;
	s30 =	simm.s32 $0x23;
	v7 =	vmul.f32 v62, v7;
	[tilespmem:s29+$0xFFFFFFC0] =	vst v4;
	v4 =	vld [tilespmem:s28+$0xFFFFFFB0]  }
.LBB2_4:
0x61: {  	p0 =	sne.s32 s30, $0x3F;
	v8 =	vld [tilespmem:s28+$0xFFFFFFC0];
	[tilespmem:s29+$0xFFFFFFE0] =	vst v6  }
0x62: {  	v6 =	vld [tilespmem:s28+$0xFFFFFFD0];
	v2 =	vmul.f32 v2, v0;
	[tilespmem:s29+$0xFFFFFFF0] =	vst v7;
	v7 =	vmov v0;
	s29 =	smov.u32 s28  }
0x63: {  	v1 =	vmul.f32 v1, v7;
	v9 =	vld [tilespmem:s28+$0xFFFFFFE0]  }
0x64: {  	v3 =	vmul.f32 v3, v7;
	v10 =	vld [tilespmem:s28+$0xFFFFFFF0];
	[tilespmem:s28+$0x0] =	vst v2  }
.Ltmp1:
0x65: {  	s28 =	sadd.s32 $0x80, s28;
	v0 =	vld.idx.msk [tilespmem:v5+s13+$0x0], $0xffff;
	[tilespmem:s29+$0xFFFFFF90] =	vst v1;
	v4 =	vmul.f32 v4, v7;
	(pc) =	sbr.rel @p0 .LBB2_4-.Ltmp1, $4  }
0x66: {  	v2 =	vld [tilespmem:s28+$0x0];
	[tilespmem:s29+$0xFFFFFFA0] =	vst v3;
	v5 =	vmul.f32 v8, v7  }
0x67: {  	v1 =	vld [tilespmem:s28+$0xFFFFFF90];
	[tilespmem:s29+$0xFFFFFFB0] =	vst v4;
	v8 =	vmul.f32 v6, v7  }
0x68: {  	v3 =	vld [tilespmem:s28+$0xFFFFFFA0];
	[tilespmem:s29+$0xFFFFFFC0] =	vst v5;
	v6 =	vmul.f32 v9, v7  }
0x69: {  	v5 =	vmov s30;
	s30 =	sadd.s32 $0x1, s30;
	v4 =	vld [tilespmem:s28+$0xFFFFFFB0];
	[tilespmem:s29+$0xFFFFFFD0] =	vst v8;
	v7 =	vmul.f32 v10, v7  }
0x6a: {  	v8 =	vld [tilespmem:s28+$0xFFFFFFC0]  }
0x6b: {  	v9 =	vld [tilespmem:s28+$0xFFFFFFD0]  }
0x6c: {  	[tilespmem:s29+$0xFFFFFFE0] =	vst v6;
	v6 =	vld [tilespmem:s28+$0xFFFFFFE0];
	v2 =	vmul.f32 v2, v0  }
0x6d: {  	[tilespmem:s29+$0xFFFFFFF0] =	vst v7;
	v7 =	vld [tilespmem:s28+$0xFFFFFFF0];
	v1 =	vmul.f32 v1, v0  }
0x6e: {  	s29 =	sadd.s32 $0x80, s28;
	v3 =	vmul.f32 v3, v0;
	[tilespmem:s28+$0x0] =	vst v2;
	v2 =	vld.idx.msk [tilespmem:v5+s13+$0x0], $0xffff  }
0x6f: {  	[tilespmem:s28+$0xFFFFFF90] =	vst v1;
	v1 =	vmul.f32 v4, v0;
	v4 =	vld [tilespmem:s29+$0x0]  }
0x70: {  	v5 =	vld [tilespmem:s29+$0xFFFFFF90];
	[tilespmem:s28+$0xFFFFFFA0] =	vst v3;
	v3 =	vmul.f32 v8, v0  }
0x71: {  	v8 =	vld [tilespmem:s29+$0xFFFFFFA0];
	[tilespmem:s28+$0xFFFFFFB0] =	vst v1;
	v1 =	vmul.f32 v9, v0  }
0x72: {  	[tilespmem:s28+$0xFFFFFFC0] =	vst v3;
	v3 =	vmul.f32 v6, v0;
	v6 =	vld [tilespmem:s29+$0xFFFFFFB0]  }
0x73: {  	v0 =	vmul.f32 v7, v0;
	[tilespmem:s28+$0xFFFFFFD0] =	vst v1;
	v1 =	vld [tilespmem:s29+$0xFFFFFFC0]  }
0x74: {  	[tilespmem:s28+$0xFFFFFFE0] =	vst v3;
	v3 =	vld [tilespmem:s29+$0xFFFFFFD0];
	v4 =	vmul.f32 v4, v2  }
0x75: {  	[tilespmem:s28+$0xFFFFFFF0] =	vst v0;
	v0 =	vmul.f32 v5, v2;
	v5 =	vld [tilespmem:s29+$0xFFFFFFE0]  }
0x76: {  	v7 =	vmul.f32 v8, v2;
	v8 =	vld [tilespmem:s29+$0xFFFFFFF0];
	[tilespmem:s29+$0x0] =	vst v4  }
0x77: {  	[tilespmem:s29+$0xFFFFFF90] =	vst v0;
	v0 =	vmul.f32 v6, v2  }
0x78: {  	[tilespmem:s29+$0xFFFFFFA0] =	vst v7;
	v1 =	vmul.f32 v1, v2  }
0x79: {  	[tilespmem:s29+$0xFFFFFFB0] =	vst v0;
	v0 =	vmul.f32 v3, v2  }
0x7a: {  	[tilespmem:s29+$0xFFFFFFC0] =	vst v1;
	v1 =	vmul.f32 v5, v2  }
0x7b: {  	[tilespmem:s29+$0xFFFFFFD0] =	vst v0;
	v0 =	vmul.f32 v8, v2  }
0x7c: {  	s28 =	simm.s32 $0x40;
	[tilespmem:s29+$0xFFFFFFE0] =	vst v1  }
0x7d: {  	[tilespmem:s29+$0xFFFFFFF0] =	vst v0;
	v0 =	vmov s28  }
0x7e: {  	[hbm4b:s7+s4] =	stream.linear.scatter [tilespmem:s15], [sflag:$0x2], $0x1000, $0x38;
	[tilespmem:$0x4100] =	vst v63  }
0x7f: {  	_ =	swait.ge [sflag:s23], $0x1000  }
0x80: {  	[sflag:s23] =	ssyncset.done $0x0  }
0x81: {  	[sflag:s23] =	ssyncadd.s32 $0xFFFFF000  }
0x82: {  	s29 =	simm.s32 $0x20F0;
	v7 =	vld.idx.msk [tilespmem:v0+s13+$0x0], $0xffff  }
0x83: {  	v0 =	vld [tilespmem:s29+$0x0]  }
0x84: {  	v1 =	vld [tilespmem:s29+$0xFFFFFF90]  }
0x85: {  	v2 =	vld [tilespmem:s29+$0xFFFFFFA0]  }
0x86: {  	s28 =	simm.s32 $0x41;
	v3 =	vld [tilespmem:s29+$0xFFFFFFB0]  }
0x87: {  	v4 =	vmov s28;
	v6 =	vld [tilespmem:s29+$0xFFFFFFD0]  }
0x88: {  	v5 =	vld [tilespmem:s29+$0xFFFFFFC0];
	v0 =	vmul.f32 v0, v7  }
0x89: {  	v8 =	vld [tilespmem:s29+$0xFFFFFFE0];
	v1 =	vmul.f32 v1, v7  }
0x8a: {  	s28 =	simm.s32 $0x2170;
	v62 =	vld [tilespmem:s29+$0xFFFFFFF0];
	v10 =	vmul.f32 v2, v7;
	[tilespmem:s29+$0x0] =	vst v0  }
0x8b: {  	v3 =	vmul.f32 v3, v7;
	v2 =	vld [tilespmem:s28+$0x0];
	[tilespmem:s29+$0xFFFFFF90] =	vst v1  }
0x8c: {  	v63 =	vmul.f32 v6, v7;
	v0 =	vld.idx.msk [tilespmem:v4+s13+$0x0], $0xffff;
	[tilespmem:s29+$0xFFFFFFA0] =	vst v10  }
0x8d: {  	v4 =	vmul.f32 v5, v7;
	v1 =	vld [tilespmem:s28+$0xFFFFFF90];
	[tilespmem:s29+$0xFFFFFFB0] =	vst v3  }
0x8e: {  	s30 =	simm.s32 $0x42;
	v6 =	vmul.f32 v8, v7;
	v3 =	vld [tilespmem:s28+$0xFFFFFFA0];
	[tilespmem:s29+$0xFFFFFFD0] =	vst v63  }
0x8f: {  	v5 =	vmov s30;
	s30 =	simm.s32 $0x43;
	v7 =	vmul.f32 v62, v7;
	[tilespmem:s29+$0xFFFFFFC0] =	vst v4;
	v4 =	vld [tilespmem:s28+$0xFFFFFFB0]  }
.LBB2_6:
0x90: {  	p0 =	sne.s32 s30, $0x5F;
	v8 =	vld [tilespmem:s28+$0xFFFFFFC0];
	[tilespmem:s29+$0xFFFFFFE0] =	vst v6  }
0x91: {  	v6 =	vld [tilespmem:s28+$0xFFFFFFD0];
	v2 =	vmul.f32 v2, v0;
	[tilespmem:s29+$0xFFFFFFF0] =	vst v7;
	v7 =	vmov v0;
	s29 =	smov.u32 s28  }
0x92: {  	v1 =	vmul.f32 v1, v7;
	v9 =	vld [tilespmem:s28+$0xFFFFFFE0]  }
0x93: {  	v3 =	vmul.f32 v3, v7;
	v10 =	vld [tilespmem:s28+$0xFFFFFFF0];
	[tilespmem:s28+$0x0] =	vst v2  }
.Ltmp2:
0x94: {  	s28 =	sadd.s32 $0x80, s28;
	v0 =	vld.idx.msk [tilespmem:v5+s13+$0x0], $0xffff;
	[tilespmem:s29+$0xFFFFFF90] =	vst v1;
	v4 =	vmul.f32 v4, v7;
	(pc) =	sbr.rel @p0 .LBB2_6-.Ltmp2, $4  }
0x95: {  	v2 =	vld [tilespmem:s28+$0x0];
	[tilespmem:s29+$0xFFFFFFA0] =	vst v3;
	v5 =	vmul.f32 v8, v7  }
0x96: {  	v1 =	vld [tilespmem:s28+$0xFFFFFF90];
	[tilespmem:s29+$0xFFFFFFB0] =	vst v4;
	v8 =	vmul.f32 v6, v7  }
0x97: {  	v3 =	vld [tilespmem:s28+$0xFFFFFFA0];
	[tilespmem:s29+$0xFFFFFFC0] =	vst v5;
	v6 =	vmul.f32 v9, v7  }
0x98: {  	v5 =	vmov s30;
	s30 =	sadd.s32 $0x1, s30;
	v4 =	vld [tilespmem:s28+$0xFFFFFFB0];
	[tilespmem:s29+$0xFFFFFFD0] =	vst v8;
	v7 =	vmul.f32 v10, v7  }
0x99: {  	v8 =	vld [tilespmem:s28+$0xFFFFFFC0]  }
0x9a: {  	v9 =	vld [tilespmem:s28+$0xFFFFFFD0]  }
0x9b: {  	[tilespmem:s29+$0xFFFFFFE0] =	vst v6;
	v6 =	vld [tilespmem:s28+$0xFFFFFFE0];
	v2 =	vmul.f32 v2, v0  }
0x9c: {  	[tilespmem:s29+$0xFFFFFFF0] =	vst v7;
	v7 =	vld [tilespmem:s28+$0xFFFFFFF0];
	v1 =	vmul.f32 v1, v0  }
0x9d: {  	s29 =	sadd.s32 $0x80, s28;
	v3 =	vmul.f32 v3, v0;
	[tilespmem:s28+$0x0] =	vst v2;
	v2 =	vld.idx.msk [tilespmem:v5+s13+$0x0], $0xffff  }
0x9e: {  	[tilespmem:s28+$0xFFFFFF90] =	vst v1;
	v1 =	vmul.f32 v4, v0;
	v4 =	vld [tilespmem:s29+$0x0]  }
0x9f: {  	v5 =	vld [tilespmem:s29+$0xFFFFFF90];
	[tilespmem:s28+$0xFFFFFFA0] =	vst v3;
	v3 =	vmul.f32 v8, v0  }
0xa0: {  	v8 =	vld [tilespmem:s29+$0xFFFFFFA0];
	[tilespmem:s28+$0xFFFFFFB0] =	vst v1;
	v1 =	vmul.f32 v9, v0  }
0xa1: {  	[tilespmem:s28+$0xFFFFFFC0] =	vst v3;
	v3 =	vmul.f32 v6, v0;
	v6 =	vld [tilespmem:s29+$0xFFFFFFB0]  }
0xa2: {  	v0 =	vmul.f32 v7, v0;
	[tilespmem:s28+$0xFFFFFFD0] =	vst v1;
	v1 =	vld [tilespmem:s29+$0xFFFFFFC0]  }
0xa3: {  	[tilespmem:s28+$0xFFFFFFE0] =	vst v3;
	v3 =	vld [tilespmem:s29+$0xFFFFFFD0];
	v4 =	vmul.f32 v4, v2  }
0xa4: {  	[tilespmem:s28+$0xFFFFFFF0] =	vst v0;
	v0 =	vmul.f32 v5, v2;
	v5 =	vld [tilespmem:s29+$0xFFFFFFE0]  }
0xa5: {  	v7 =	vmul.f32 v8, v2;
	v8 =	vld [tilespmem:s29+$0xFFFFFFF0];
	[tilespmem:s29+$0x0] =	vst v4  }
0xa6: {  	[tilespmem:s29+$0xFFFFFF90] =	vst v0;
	v0 =	vmul.f32 v6, v2  }
0xa7: {  	[tilespmem:s29+$0xFFFFFFA0] =	vst v7;
	v1 =	vmul.f32 v1, v2  }
0xa8: {  	[tilespmem:s29+$0xFFFFFFB0] =	vst v0;
	v0 =	vmul.f32 v3, v2  }
0xa9: {  	[tilespmem:s29+$0xFFFFFFC0] =	vst v1;
	v1 =	vmul.f32 v5, v2  }
0xaa: {  	[tilespmem:s29+$0xFFFFFFD0] =	vst v0;
	v0 =	vmul.f32 v8, v2  }
0xab: {  	s28 =	simm.s32 $0x60;
	[tilespmem:s29+$0xFFFFFFE0] =	vst v1  }
0xac: {  	[tilespmem:s29+$0xFFFFFFF0] =	vst v0;
	v0 =	vmov s28  }
0xad: {  	[hbm4b:s8+s4] =	stream.linear.scatter [tilespmem:s17], [sflag:$0x2], $0x1000, $0x38;
	[tilespmem:$0x4100] =	vst v63  }
0xae: {  	_ =	swait.ge [sflag:s24], $0x1000  }
0xaf: {  	[sflag:s24] =	ssyncset.done $0x0  }
0xb0: {  	[sflag:s24] =	ssyncadd.s32 $0xFFFFF000  }
0xb1: {  	s29 =	simm.s32 $0x30F0;
	v7 =	vld.idx.msk [tilespmem:v0+s13+$0x0], $0xffff  }
0xb2: {  	v0 =	vld [tilespmem:s29+$0x0]  }
0xb3: {  	v1 =	vld [tilespmem:s29+$0xFFFFFF90]  }
0xb4: {  	v2 =	vld [tilespmem:s29+$0xFFFFFFA0]  }
0xb5: {  	s28 =	simm.s32 $0x61;
	v3 =	vld [tilespmem:s29+$0xFFFFFFB0]  }
0xb6: {  	v4 =	vmov s28;
	v6 =	vld [tilespmem:s29+$0xFFFFFFD0]  }
0xb7: {  	v5 =	vld [tilespmem:s29+$0xFFFFFFC0];
	v0 =	vmul.f32 v0, v7  }
0xb8: {  	v8 =	vld [tilespmem:s29+$0xFFFFFFE0];
	v1 =	vmul.f32 v1, v7  }
0xb9: {  	s28 =	simm.s32 $0x3170;
	v62 =	vld [tilespmem:s29+$0xFFFFFFF0];
	v10 =	vmul.f32 v2, v7;
	[tilespmem:s29+$0x0] =	vst v0  }
0xba: {  	v3 =	vmul.f32 v3, v7;
	v2 =	vld [tilespmem:s28+$0x0];
	[tilespmem:s29+$0xFFFFFF90] =	vst v1  }
0xbb: {  	v63 =	vmul.f32 v6, v7;
	v0 =	vld.idx.msk [tilespmem:v4+s13+$0x0], $0xffff;
	[tilespmem:s29+$0xFFFFFFA0] =	vst v10  }
0xbc: {  	v4 =	vmul.f32 v5, v7;
	v1 =	vld [tilespmem:s28+$0xFFFFFF90];
	[tilespmem:s29+$0xFFFFFFB0] =	vst v3  }
0xbd: {  	s30 =	simm.s32 $0x62;
	v6 =	vmul.f32 v8, v7;
	v3 =	vld [tilespmem:s28+$0xFFFFFFA0];
	[tilespmem:s29+$0xFFFFFFD0] =	vst v63  }
0xbe: {  	v5 =	vmov s30;
	s30 =	simm.s32 $0x63;
	v7 =	vmul.f32 v62, v7;
	[tilespmem:s29+$0xFFFFFFC0] =	vst v4;
	v4 =	vld [tilespmem:s28+$0xFFFFFFB0]  }
.LBB2_8:
0xbf: {  	p0 =	sne.s32 s30, $0x7F;
	v8 =	vld [tilespmem:s28+$0xFFFFFFC0];
	[tilespmem:s29+$0xFFFFFFE0] =	vst v6  }
0xc0: {  	v6 =	vld [tilespmem:s28+$0xFFFFFFD0];
	v2 =	vmul.f32 v2, v0;
	[tilespmem:s29+$0xFFFFFFF0] =	vst v7;
	v7 =	vmov v0;
	s29 =	smov.u32 s28  }
0xc1: {  	v1 =	vmul.f32 v1, v7;
	v9 =	vld [tilespmem:s28+$0xFFFFFFE0]  }
0xc2: {  	v3 =	vmul.f32 v3, v7;
	v10 =	vld [tilespmem:s28+$0xFFFFFFF0];
	[tilespmem:s28+$0x0] =	vst v2  }
.Ltmp3:
0xc3: {  	s28 =	sadd.s32 $0x80, s28;
	v0 =	vld.idx.msk [tilespmem:v5+s13+$0x0], $0xffff;
	[tilespmem:s29+$0xFFFFFF90] =	vst v1;
	v4 =	vmul.f32 v4, v7;
	(pc) =	sbr.rel @p0 .LBB2_8-.Ltmp3, $4  }
0xc4: {  	v2 =	vld [tilespmem:s28+$0x0];
	[tilespmem:s29+$0xFFFFFFA0] =	vst v3;
	v5 =	vmul.f32 v8, v7  }
0xc5: {  	v1 =	vld [tilespmem:s28+$0xFFFFFF90];
	[tilespmem:s29+$0xFFFFFFB0] =	vst v4;
	v8 =	vmul.f32 v6, v7  }
0xc6: {  	v3 =	vld [tilespmem:s28+$0xFFFFFFA0];
	[tilespmem:s29+$0xFFFFFFC0] =	vst v5;
	v6 =	vmul.f32 v9, v7  }
0xc7: {  	v5 =	vmov s30;
	s30 =	sadd.s32 $0x1, s30;
	v4 =	vld [tilespmem:s28+$0xFFFFFFB0];
	[tilespmem:s29+$0xFFFFFFD0] =	vst v8;
	v7 =	vmul.f32 v10, v7  }
0xc8: {  	v8 =	vld [tilespmem:s28+$0xFFFFFFC0]  }
0xc9: {  	v9 =	vld [tilespmem:s28+$0xFFFFFFD0]  }
0xca: {  	[tilespmem:s29+$0xFFFFFFE0] =	vst v6;
	v42 =	vld [tilespmem:s28+$0xFFFFFFE0];
	v2 =	vmul.f32 v2, v0  }
0xcb: {  	v43 =	vld [tilespmem:s28+$0xFFFFFFF0];
	[tilespmem:s29+$0xFFFFFFF0] =	vst v7;
	v1 =	vmul.f32 v1, v0  }
0xcc: {  	v44 =	vld.idx.msk [tilespmem:v5+s13+$0x0], $0xffff;
	s31 =	sadd.s32 $0x80, s28;
	v3 =	vmul.f32 v3, v0;
	[tilespmem:s28+$0x0] =	vst v2  }
0xcd: {  	v46 =	vld [tilespmem:s31+$0x0];
	[tilespmem:s28+$0xFFFFFF90] =	vst v1;
	v45 =	vmul.f32 v4, v0  }
0xce: {  	v48 =	vld [tilespmem:s31+$0xFFFFFF90];
	[tilespmem:s28+$0xFFFFFFA0] =	vst v3;
	v47 =	vmul.f32 v8, v0  }
0xcf: {  	v50 =	vld [tilespmem:s31+$0xFFFFFFA0];
	v49 =	vmul.f32 v9, v0;
	[tilespmem:s28+$0xFFFFFFB0] =	vst v45  }
0xd0: {  	v52 =	vld [tilespmem:s31+$0xFFFFFFB0];
	v51 =	vmul.f32 v42, v0;
	[tilespmem:s28+$0xFFFFFFC0] =	vst v47  }
0xd1: {  	v54 =	vld [tilespmem:s31+$0xFFFFFFC0];
	v53 =	vmul.f32 v43, v0;
	[tilespmem:s28+$0xFFFFFFD0] =	vst v49  }
0xd2: {  	v55 =	vld [tilespmem:s31+$0xFFFFFFD0];
	v4 =	vmul.f32 v46, v44;
	[tilespmem:s28+$0xFFFFFFE0] =	vst v51  }
0xd3: {  	v57 =	vld [tilespmem:s31+$0xFFFFFFE0];
	v56 =	vmul.f32 v48, v44;
	[tilespmem:s28+$0xFFFFFFF0] =	vst v53  }
0xd4: {  	v59 =	vld [tilespmem:s31+$0xFFFFFFF0];
	v58 =	vmul.f32 v50, v44;
	[tilespmem:s31+$0x0] =	vst v4  }
0xd5: {  	v60 =	vmul.f32 v52, v44;
	[tilespmem:s31+$0xFFFFFF90] =	vst v56  }
0xd6: {  	v1 =	vmul.f32 v54, v44;
	[tilespmem:s31+$0xFFFFFFA0] =	vst v58  }
0xd7: {  	v61 =	vmul.f32 v55, v44;
	[tilespmem:s31+$0xFFFFFFB0] =	vst v60  }
0xd8: {  	v62 =	vmul.f32 v57, v44;
	[tilespmem:s31+$0xFFFFFFC0] =	vst v1  }
0xd9: {  	v63 =	vmul.f32 v59, v44;
	[tilespmem:s31+$0xFFFFFFD0] =	vst v61  }
0xda: {  	[tilespmem:s31+$0xFFFFFFE0] =	vst v62  }
0xdb: {  	[tilespmem:s31+$0xFFFFFFF0] =	vst v63  }
0xdc: {  	[hbm4b:s9+s4] =	stream.linear.scatter [tilespmem:s19], [sflag:$0x2], $0x1000, $0x38;
	[tilespmem:$0x4100] =	vst v63  }
0xdd: {  	_ =	swait.ge [sflag:s25], $0x1000  }
0xde: {  	[sflag:s25] =	ssyncset.done $0x0  }
0xdf: {  	[sflag:s25] =	ssyncadd.s32 $0xFFFFF000  }
0xe0: {  	_ =	swait.ge [sflag:s25], $0x1000  }
0xe1: {  	[sflag:s25] =	ssyncset.done $0x0  }
0xe2: {  	s26 =	sadd.s32 $0x1, s26;
	[sflag:s25] =	ssyncadd.s32 $0xFFFFF000  }
0xe3: {  	p0 =	sne.s32 s26, s10;
	_ =	swait.ge [sflag:s25], $0x1000  }
.Ltmp4:
0xe4: {  	[sflag:s25] =	ssyncset.done $0x0;
	(pc) =	sbr.rel @p0 .LBB2_1-.Ltmp4, $4  }
0xe5: {  	[sflag:s25] =	ssyncadd.s32 $0xFFFFF000  }
0xe6: {  	_ =	swait.ge [sflag:s25], $0x1000  }
0xe7: {  	[sflag:s25] =	ssyncset.done $0x0  }
0xe8: {  	[sflag:s25] =	ssyncadd.s32 $0xFFFFF000  }
0xe9: {  	_ =	sfence.sel $0x180000  }
0xea: {  	[bflag:$0x0] =	sbarrier.arrive $0xFFFF  }
0xeb: {  	p0 =	sne.s32 s2, $0x0;
	_ =	strace $0x90000047  }
0xec: {  	s0 =	sadd.s32 @!p0 $0x100000, s0;
	[bflag:$0x2] =	sbarrier.arrive $0xFFFF  }
0xed: {  	[sflag:s0] =	ssyncadd.tile.s32 @!p0 $0x1;
	_ =	shalt  }
.Lfunc_end2:
_tile_overlayer_lowered:
.L_overlay_start_2:
0xee: {  	(tag) =	ssettag $0x2  }
0xef: {  	s0 =	rddreg [dreg:$0x0];
	s2 =	stileid.u32  }
0xf0: {  	s1 =	rddreg [dreg:$0x1];
	p0 =	sne.s32 s2, $0x0  }
0xf1: {  	s3 =	rddreg [dreg:$0x2];
	[bflag:$0x3] =	sbarrier.arrive $0xFFFF;
	s2 =	simm.s32 @!p0 $0x1C07  }
0xf2: {  	[timem:s3], [sflag:s2] =	dma.local @!p0 [hbm:s0], s1  }
0xf3: {  	s0 =	simm.s32 @!p0 $0x7  }
0xf4: {  	_ =	swait.ge @!p0 [sflag:s0], s1  }
0xf5: {  	s1 =	ssub.s32 @!p0 $0x0, s1;
	[sflag:s0] =	ssyncset.done @!p0 $0x0  }
0xf6: {  	[sflag:s0] =	ssyncadd.s32 @!p0 s1  }
0xf7: {  	[bflag:$0x3] =	sbarrier.arrive $0xFFFF  }
0xf8: {  	_ =	shalt  }

</sc_bundles>
